<compile_context>
chip_gen: v7x
topology: tpu7x:2x2x1
jax: 0.10.2.dev20260603
libtpu: 0.0.44.dev20260713+nightly
codegen_flags: <defaults>
</compile_context>

<pallas_src>
import jax
import jax.numpy as jnp
from jax import lax
from jax.experimental import pallas as pl
from jax.experimental.pallas import tpu as pltpu
from jax.experimental.pallas import tpu_sc as plsc

D_EMBED = 64
D_PAD = 128
SEQ = 200
BATCH = 4096

_NC = 2
_NS = 16
_NW = _NC * _NS
_COLS = 2 * BATCH
_BPW = _COLS // _NW
_CH = 128
_NCHUNK = _BPW // _CH
_NBANK = 4


def _pool_body(s_hbm, table_hbm, out_hbm, idx_v, acc_v, sems):
    wid = lax.axis_index("s") * _NC + lax.axis_index("c")

    pltpu.sync_copy(s_hbm.at[pl.ds(_NCHUNK * wid, _NCHUNK)], idx_v)

    zeros = jnp.zeros((16,), jnp.float32)

    def zrow(r, c):
        for b in range(_NBANK):
            for k in range(D_PAD // 16):
                acc_v[b, r, pl.ds(k * 16, 16)] = zeros
        return c

    lax.fori_loop(0, _CH, zrow, 0)

    def fire(s, b):
        return pltpu.async_copy(
            table_hbm.at[idx_v.at[b % 2, s]], acc_v.at[b], sems.at[b],
            add=True)

    def wait(s, b):
        pltpu.make_async_copy(
            table_hbm.at[idx_v.at[b % 2, s]], acc_v.at[b], sems.at[b]).wait()

    for b in range(_NBANK):
        fire(b // 2, b)

    def step(u, c):
        s = 2 * u
        for b in range(_NBANK):
            wait(s - 2 + b // 2, b)
            fire(s + b // 2, b)
        return c

    lax.fori_loop(1, SEQ // 2, step, 0)

    for b in range(_NBANK):
        wait(SEQ - 2 + b // 2, b)

    def mrow(r, c):
        for b in range(2):
            for k in range(D_PAD // 16):
                v = acc_v[b + 2, r, pl.ds(k * 16, 16)]
                plsc.addupdate(acc_v.at[b, r, pl.ds(k * 16, 16)], v)
        return c

    lax.fori_loop(0, _CH, mrow, 0)

    pltpu.sync_copy(acc_v.at[pl.ds(0, 2)],
                    out_hbm.at[pl.ds(_NCHUNK * wid, _NCHUNK)])


_PREP_ROWS = 8000


def _prep_body(t_ref, out_ref):
    x = t_ref[...]
    out_ref[...] = jnp.concatenate([x, x], axis=1)


def _mlp_body(p_ref, bn1g, bn1b, f1w, f1b, bn2g, bn2b, f2w, f2b, out_ref):
    inv = jnp.float32(1.0 / SEQ)
    x = jnp.concatenate([p_ref[0] * inv, p_ref[1] * inv], axis=1)

    def bn(t, g, b):
        m = jnp.mean(t, axis=0, keepdims=True)
        tc = t - m
        v = jnp.mean(tc * tc, axis=0, keepdims=True)
        return tc / jnp.sqrt(v + 1e-5) * g + b

    x = bn(x, bn1g[...], bn1b[...])
    h = lax.dot_general(x, f1w[...], (((1,), (1,)), ((), ())),
                        preferred_element_type=jnp.float32) + f1b[...]
    h = bn(h, bn2g[...], bn2b[...])
    o = lax.dot_general(h, f2w[...], (((1,), (1,)), ((), ())),
                        preferred_element_type=jnp.float32) + f2b[...]
    out_ref[...] = o


def kernel(sentence1, sentence2, label, embed_table, bn1_gamma, bn1_beta,
           fc1_w, fc1_b, bn2_gamma, bn2_beta, fc2_w, fc2_b):
    del label
    s_all = jnp.concatenate([sentence1, sentence2], axis=1)
    s_all = s_all.T.reshape(_COLS // _CH, _CH, SEQ).transpose(0, 2, 1)

    n_embed = embed_table.shape[0]
    table128 = pl.pallas_call(
        _prep_body,
        grid=(n_embed // _PREP_ROWS,),
        in_specs=[pl.BlockSpec((_PREP_ROWS, D_EMBED), lambda i: (i, 0))],
        out_specs=pl.BlockSpec((_PREP_ROWS, D_PAD), lambda i: (i, 0)),
        out_shape=jax.ShapeDtypeStruct((n_embed, D_PAD), jnp.float32),
    )(embed_table)

    mesh = plsc.VectorSubcoreMesh(core_axis_name="c", subcore_axis_name="s")
    pool = pl.kernel(
        _pool_body,
        mesh=mesh,
        out_type=jax.ShapeDtypeStruct((_COLS // _CH, _CH, D_PAD),
                                      jnp.float32),
        scratch_types=[
            pltpu.VMEM((_NCHUNK, SEQ, _CH), jnp.int32),
            pltpu.VMEM((_NBANK, _CH, D_PAD), jnp.float32),
            pltpu.SemaphoreType.DMA((_NBANK,)),
        ],
    )
    pooled = pool(s_all, table128)

    p3 = pooled.reshape(2, BATCH, D_PAD)[:, :, :D_EMBED]
    out = pl.pallas_call(
        _mlp_body,
        out_shape=jax.ShapeDtypeStruct((BATCH, 2), jnp.float32),
    )(p3, bn1_gamma, bn1_beta, fc1_w, fc1_b, bn2_gamma, bn2_beta, fc2_w,
      fc2_b)
    return out

# --- scband reference (transcript-rebuilt; emitter-appended) ---
"""Pipeline reference for scband-dan-48266842472976 (READ-ONLY COPY).

The authoritative reference and input builder live on the scoring server;
editing this copy changes nothing except your own understanding.
"""

import jax, jax.numpy as jnp
import numpy as np

N_EMBED = 1000000
D_EMBED = 64
D_HIDDEN = 256
D_OUT = 2
SEQ = 200
BATCH = 4096


def setup_inputs(seed: int = 0) -> dict:
    key = jax.random.key(seed)
    ks = jax.random.split(key, 10)
    sentence1 = jax.random.randint(ks[0], (SEQ, BATCH), 0, N_EMBED, dtype=jnp.int64 if jax.config.jax_enable_x64 else jnp.int32).astype(jnp.int32)
    sentence2 = jax.random.randint(ks[1], (SEQ, BATCH), 0, N_EMBED, dtype=jnp.int32)
    label = jax.random.randint(ks[2], (BATCH,), 0, 2, dtype=jnp.int32)
    embed_table = jax.random.normal(ks[3], (N_EMBED, D_EMBED), dtype=jnp.float32)
    bn1_gamma = jnp.ones((D_EMBED * 2,), dtype=jnp.float32)
    bn1_beta = jnp.zeros((D_EMBED * 2,), dtype=jnp.float32)
    lim1 = 1.0 / np.sqrt(D_EMBED * 2)
    fc1_w = jax.random.uniform(ks[4], (D_HIDDEN, D_EMBED * 2), minval=-lim1, maxval=lim1, dtype=jnp.float32)
    fc1_b = jax.random.uniform(ks[5], (D_HIDDEN,), minval=-lim1, maxval=lim1, dtype=jnp.float32)
    bn2_gamma = jnp.ones((D_HIDDEN,), dtype=jnp.float32)
    bn2_beta = jnp.zeros((D_HIDDEN,), dtype=jnp.float32)
    lim2 = 1.0 / np.sqrt(D_HIDDEN)
    fc2_w = jax.random.uniform(ks[6], (D_OUT, D_HIDDEN), minval=-lim2, maxval=lim2, dtype=jnp.float32)
    fc2_b = jax.random.uniform(ks[7], (D_OUT,), minval=-lim2, maxval=lim2, dtype=jnp.float32)
    return {
        "sentence1": sentence1,
        "sentence2": sentence2,
        "label": label,
        "embed_table": embed_table,
        "bn1_gamma": bn1_gamma,
        "bn1_beta": bn1_beta,
        "fc1_w": fc1_w,
        "fc1_b": fc1_b,
        "bn2_gamma": bn2_gamma,
        "bn2_beta": bn2_beta,
        "fc2_w": fc2_w,
        "fc2_b": fc2_b,
    }


def _batchnorm_train(x, gamma, beta, eps=1e-5):
    mean = x.mean(axis=0)
    var = x.var(axis=0)
    return (x - mean) / jnp.sqrt(var + eps) * gamma + beta


def reference(sentence1, sentence2, label, embed_table, bn1_gamma, bn1_beta, fc1_w, fc1_b, bn2_gamma, bn2_beta, fc2_w, fc2_b):
    # embedding gather: [SEQ, BATCH] -> [SEQ, BATCH, D_EMBED]
    x1 = jnp.take(embed_table, sentence1, axis=0).mean(axis=0)  # [BATCH, D_EMBED]
    x2 = jnp.take(embed_table, sentence2, axis=0).mean(axis=0)  # [BATCH, D_EMBED]
    x = jnp.concatenate([x1, x2], axis=1)  # [BATCH, 2*D_EMBED]
    # dropout is identity under eval / deterministic reference
    x = _batchnorm_train(x, bn1_gamma, bn1_beta)
    x = x @ fc1_w.T + fc1_b
    x = _batchnorm_train(x, bn2_gamma, bn2_beta)
    x = x @ fc2_w.T + fc2_b
    return x

if __name__ == "__main__":
    import jax
    _d = setup_inputs()
    print(jax.jit(kernel)(*tuple(_d.values())))

</pallas_src>

<mosaic_0001>
#map = affine_map<(d0, d1) -> (0, 0, 0)>
#map1 = affine_map<(d0, d1) -> (0, 0)>
module attributes {stable_mosaic.version = 14 : i64} {
  func.func @_pool_body(%arg0: i32, %arg1: i32, %arg2: memref<64x200x128xi32, #tpu.memory_space<hbm>>, %arg3: memref<1000000x128xf32, #tpu.memory_space<hbm>>, %arg4: memref<64x128x128xf32, #tpu.memory_space<hbm>>, %arg5: memref<2x200x128xi32, #tpu.memory_space<vmem>>, %arg6: memref<4x128x128xf32, #tpu.memory_space<vmem>>, %arg7: memref<4x!tpu.dma_semaphore, #tpu.memory_space<semaphore_mem>>) attributes {dimension_semantics = [#tpu.dimension_semantics<core_parallel>, #tpu.dimension_semantics<subcore_parallel>], iteration_bounds = array<i64: 2, 16>, scalar_prefetch = 0 : i64, scratch_operands = 3 : i64, tpu.core_type = #tpu.core_type<sc_vector_subcore>, window_params = [{transform_indices = #map}, {transform_indices = #map1}, {transform_indices = #map}]} {
    %mul3A = arith.constant 2 : i32
    %mul3A_0 = arith.muli %arg1, %mul3A : i32
    %add3A = arith.addi %mul3A_0, %arg0 : i32
    %mul3A_1 = arith.constant 2 : i32
    %mul3A_2 = arith.muli %mul3A_1, %add3A : i32
    "tpu.region"() ({
      %run_scoped3A = tpu.sem_alloc : memref<!tpu.dma_semaphore, #tpu.memory_space<semaphore_mem>>
      %dma_start3A_149 = arith.constant 0 : i32
      %dma_start3A_150 = arith.constant 0 : i32
      %dma_start3A_151 = tpu.memref_slice %arg2[%mul3A_2, %dma_start3A_149, %dma_start3A_150] : memref<64x200x128xi32, #tpu.memory_space<hbm>> -> memref<2x200x128xi32, #tpu.memory_space<hbm>>
      %dma_start3A_152 = arith.constant 0 : i32
      %dma_start3A_153 = arith.constant 0 : i32
      %dma_start3A_154 = tpu.memref_slice %arg2[%mul3A_2, %dma_start3A_152, %dma_start3A_153] : memref<64x200x128xi32, #tpu.memory_space<hbm>> -> memref<2x200x128xi32, #tpu.memory_space<hbm>>
      tpu.enqueue_dma source(%dma_start3A_154 : memref<2x200x128xi32, #tpu.memory_space<hbm>>) target(%arg5 : memref<2x200x128xi32, #tpu.memory_space<vmem>>) target_semaphore(%run_scoped3A : memref<!tpu.dma_semaphore, #tpu.memory_space<semaphore_mem>>)
      %dma_wait3A_155 = arith.constant 0 : i32
      %dma_wait3A_156 = arith.constant 0 : i32
      %dma_wait3A_157 = tpu.memref_slice %arg2[%mul3A_2, %dma_wait3A_155, %dma_wait3A_156] : memref<64x200x128xi32, #tpu.memory_space<hbm>> -> memref<2x200x128xi32, #tpu.memory_space<hbm>>
      %dma_wait3A_158 = arith.constant 0 : i32
      %dma_wait3A_159 = arith.constant 0 : i32
      %dma_wait3A_160 = tpu.memref_slice %arg2[%mul3A_2, %dma_wait3A_158, %dma_wait3A_159] : memref<64x200x128xi32, #tpu.memory_space<hbm>> -> memref<2x200x128xi32, #tpu.memory_space<hbm>>
      tpu.wait_dma2 semaphore(%run_scoped3A : memref<!tpu.dma_semaphore, #tpu.memory_space<semaphore_mem>>) src(%dma_wait3A_160 : memref<2x200x128xi32, #tpu.memory_space<hbm>>) dst(%arg5 : memref<2x200x128xi32, #tpu.memory_space<vmem>>)
      tpu.yield
    }) : () -> ()
    %broadcast_in_dim3A = arith.constant 0.000000e+00 : f32
    %broadcast_in_dim3A_3 = vector.broadcast %broadcast_in_dim3A : f32 to vector<16xf32>
    %scan3A = arith.constant 0 : i32
    %scan3A_4 = arith.constant 0 : i32
    %scan3A_5 = arith.constant 128 : i32
    %scan3A_6 = arith.addi %scan3A_4, %scan3A_5 : i32
    %scan3A_7 = arith.constant 1 : i32
    scf.for %scan3A_149 = %scan3A_4 to %scan3A_6 step %scan3A_7  : i32 {
      %swap3A = arith.constant 0 : i32
      %swap3A_150 = arith.index_cast %swap3A : i32 to index
      %swap3A_151 = arith.index_cast %scan3A_149 : i32 to index
      %swap3A_152 = arith.constant 0 : index
      %swap3A_153 = tpu.vector_load %arg6[%swap3A_150, %swap3A_151, %swap3A_152] {strides = array<i32>} : memref<4x128x128xf32, #tpu.memory_space<vmem>>, vector<1x1x16xf32>,
      %swap3A_154 = vector.shape_cast %swap3A_153 : vector<1x1x16xf32> to vector<16xf32>
      %swap3A_155 = vector.shape_cast %broadcast_in_dim3A_3 : vector<16xf32> to vector<1x1x16xf32>
      tpu.vector_store %arg6[%swap3A_150, %swap3A_151, %swap3A_152], %swap3A_155 {strides = array<i32>} : memref<4x128x128xf32, #tpu.memory_space<vmem>>, vector<1x1x16xf32>,
      %swap3A_156 = arith.constant 0 : i32
      %swap3A_157 = arith.index_cast %swap3A_156 : i32 to index
      %swap3A_158 = arith.index_cast %scan3A_149 : i32 to index
      %swap3A_159 = arith.constant 16 : index
      %swap3A_160 = tpu.vector_load %arg6[%swap3A_157, %swap3A_158, %swap3A_159] {strides = array<i32>} : memref<4x128x128xf32, #tpu.memory_space<vmem>>, vector<1x1x16xf32>,
      %swap3A_161 = vector.shape_cast %swap3A_160 : vector<1x1x16xf32> to vector<16xf32>
      %swap3A_162 = vector.shape_cast %broadcast_in_dim3A_3 : vector<16xf32> to vector<1x1x16xf32>
      tpu.vector_store %arg6[%swap3A_157, %swap3A_158, %swap3A_159], %swap3A_162 {strides = array<i32>} : memref<4x128x128xf32, #tpu.memory_space<vmem>>, vector<1x1x16xf32>,
      %swap3A_163 = arith.constant 0 : i32
      %swap3A_164 = arith.index_cast %swap3A_163 : i32 to index
      %swap3A_165 = arith.index_cast %scan3A_149 : i32 to index
      %swap3A_166 = arith.constant 32 : index
      %swap3A_167 = tpu.vector_load %arg6[%swap3A_164, %swap3A_165, %swap3A_166] {strides = array<i32>} : memref<4x128x128xf32, #tpu.memory_space<vmem>>, vector<1x1x16xf32>,
      %swap3A_168 = vector.shape_cast %swap3A_167 : vector<1x1x16xf32> to vector<16xf32>
      %swap3A_169 = vector.shape_cast %broadcast_in_dim3A_3 : vector<16xf32> to vector<1x1x16xf32>
      tpu.vector_store %arg6[%swap3A_164, %swap3A_165, %swap3A_166], %swap3A_169 {strides = array<i32>} : memref<4x128x128xf32, #tpu.memory_space<vmem>>, vector<1x1x16xf32>,
      %swap3A_170 = arith.constant 0 : i32
      %swap3A_171 = arith.index_cast %swap3A_170 : i32 to index
      %swap3A_172 = arith.index_cast %scan3A_149 : i32 to index
      %swap3A_173 = arith.constant 48 : index
      %swap3A_174 = tpu.vector_load %arg6[%swap3A_171, %swap3A_172, %swap3A_173] {strides = array<i32>} : memref<4x128x128xf32, #tpu.memory_space<vmem>>, vector<1x1x16xf32>,
      %swap3A_175 = vector.shape_cast %swap3A_174 : vector<1x1x16xf32> to vector<16xf32>
      %swap3A_176 = vector.shape_cast %broadcast_in_dim3A_3 : vector<16xf32> to vector<1x1x16xf32>
      tpu.vector_store %arg6[%swap3A_171, %swap3A_172, %swap3A_173], %swap3A_176 {strides = array<i32>} : memref<4x128x128xf32, #tpu.memory_space<vmem>>, vector<1x1x16xf32>,
      %swap3A_177 = arith.constant 0 : i32
      %swap3A_178 = arith.index_cast %swap3A_177 : i32 to index
      %swap3A_179 = arith.index_cast %scan3A_149 : i32 to index
      %swap3A_180 = arith.constant 64 : index
      %swap3A_181 = tpu.vector_load %arg6[%swap3A_178, %swap3A_179, %swap3A_180] {strides = array<i32>} : memref<4x128x128xf32, #tpu.memory_space<vmem>>, vector<1x1x16xf32>,
      %swap3A_182 = vector.shape_cast %swap3A_181 : vector<1x1x16xf32> to vector<16xf32>
      %swap3A_183 = vector.shape_cast %broadcast_in_dim3A_3 : vector<16xf32> to vector<1x1x16xf32>
      tpu.vector_store %arg6[%swap3A_178, %swap3A_179, %swap3A_180], %swap3A_183 {strides = array<i32>} : memref<4x128x128xf32, #tpu.memory_space<vmem>>, vector<1x1x16xf32>,
      %swap3A_184 = arith.constant 0 : i32
      %swap3A_185 = arith.index_cast %swap3A_184 : i32 to index
      %swap3A_186 = arith.index_cast %scan3A_149 : i32 to index
      %swap3A_187 = arith.constant 80 : index
      %swap3A_188 = tpu.vector_load %arg6[%swap3A_185, %swap3A_186, %swap3A_187] {strides = array<i32>} : memref<4x128x128xf32, #tpu.memory_space<vmem>>, vector<1x1x16xf32>,
      %swap3A_189 = vector.shape_cast %swap3A_188 : vector<1x1x16xf32> to vector<16xf32>
      %swap3A_190 = vector.shape_cast %broadcast_in_dim3A_3 : vector<16xf32> to vector<1x1x16xf32>
      tpu.vector_store %arg6[%swap3A_185, %swap3A_186, %swap3A_187], %swap3A_190 {strides = array<i32>} : memref<4x128x128xf32, #tpu.memory_space<vmem>>, vector<1x1x16xf32>,
      %swap3A_191 = arith.constant 0 : i32
      %swap3A_192 = arith.index_cast %swap3A_191 : i32 to index
      %swap3A_193 = arith.index_cast %scan3A_149 : i32 to index
      %swap3A_194 = arith.constant 96 : index
      %swap3A_195 = tpu.vector_load %arg6[%swap3A_192, %swap3A_193, %swap3A_194] {strides = array<i32>} : memref<4x128x128xf32, #tpu.memory_space<vmem>>, vector<1x1x16xf32>,
      %swap3A_196 = vector.shape_cast %swap3A_195 : vector<1x1x16xf32> to vector<16xf32>
      %swap3A_197 = vector.shape_cast %broadcast_in_dim3A_3 : vector<16xf32> to vector<1x1x16xf32>
      tpu.vector_store %arg6[%swap3A_192, %swap3A_193, %swap3A_194], %swap3A_197 {strides = array<i32>} : memref<4x128x128xf32, #tpu.memory_space<vmem>>, vector<1x1x16xf32>,
      %swap3A_198 = arith.constant 0 : i32
      %swap3A_199 = arith.index_cast %swap3A_198 : i32 to index
      %swap3A_200 = arith.index_cast %scan3A_149 : i32 to index
      %swap3A_201 = arith.constant 112 : index
      %swap3A_202 = tpu.vector_load %arg6[%swap3A_199, %swap3A_200, %swap3A_201] {strides = array<i32>} : memref<4x128x128xf32, #tpu.memory_space<vmem>>, vector<1x1x16xf32>,
      %swap3A_203 = vector.shape_cast %swap3A_202 : vector<1x1x16xf32> to vector<16xf32>
      %swap3A_204 = vector.shape_cast %broadcast_in_dim3A_3 : vector<16xf32> to vector<1x1x16xf32>
      tpu.vector_store %arg6[%swap3A_199, %swap3A_200, %swap3A_201], %swap3A_204 {strides = array<i32>} : memref<4x128x128xf32, #tpu.memory_space<vmem>>, vector<1x1x16xf32>,
      %swap3A_205 = arith.constant 1 : i32
      %swap3A_206 = arith.index_cast %swap3A_205 : i32 to index
      %swap3A_207 = arith.index_cast %scan3A_149 : i32 to index
      %swap3A_208 = arith.constant 0 : index
      %swap3A_209 = tpu.vector_load %arg6[%swap3A_206, %swap3A_207, %swap3A_208] {strides = array<i32>} : memref<4x128x128xf32, #tpu.memory_space<vmem>>, vector<1x1x16xf32>,
      %swap3A_210 = vector.shape_cast %swap3A_209 : vector<1x1x16xf32> to vector<16xf32>
      %swap3A_211 = vector.shape_cast %broadcast_in_dim3A_3 : vector<16xf32> to vector<1x1x16xf32>
      tpu.vector_store %arg6[%swap3A_206, %swap3A_207, %swap3A_208], %swap3A_211 {strides = array<i32>} : memref<4x128x128xf32, #tpu.memory_space<vmem>>, vector<1x1x16xf32>,
      %swap3A_212 = arith.constant 1 : i32
      %swap3A_213 = arith.index_cast %swap3A_212 : i32 to index
      %swap3A_214 = arith.index_cast %scan3A_149 : i32 to index
      %swap3A_215 = arith.constant 16 : index
      %swap3A_216 = tpu.vector_load %arg6[%swap3A_213, %swap3A_214, %swap3A_215] {strides = array<i32>} : memref<4x128x128xf32, #tpu.memory_space<vmem>>, vector<1x1x16xf32>,
      %swap3A_217 = vector.shape_cast %swap3A_216 : vector<1x1x16xf32> to vector<16xf32>
      %swap3A_218 = vector.shape_cast %broadcast_in_dim3A_3 : vector<16xf32> to vector<1x1x16xf32>
      tpu.vector_store %arg6[%swap3A_213, %swap3A_214, %swap3A_215], %swap3A_218 {strides = array<i32>} : memref<4x128x128xf32, #tpu.memory_space<vmem>>, vector<1x1x16xf32>,
      %swap3A_219 = arith.constant 1 : i32
      %swap3A_220 = arith.index_cast %swap3A_219 : i32 to index
      %swap3A_221 = arith.index_cast %scan3A_149 : i32 to index
      %swap3A_222 = arith.constant 32 : index
      %swap3A_223 = tpu.vector_load %arg6[%swap3A_220, %swap3A_221, %swap3A_222] {strides = array<i32>} : memref<4x128x128xf32, #tpu.memory_space<vmem>>, vector<1x1x16xf32>,
      %swap3A_224 = vector.shape_cast %swap3A_223 : vector<1x1x16xf32> to vector<16xf32>
      %swap3A_225 = vector.shape_cast %broadcast_in_dim3A_3 : vector<16xf32> to vector<1x1x16xf32>
      tpu.vector_store %arg6[%swap3A_220, %swap3A_221, %swap3A_222], %swap3A_225 {strides = array<i32>} : memref<4x128x128xf32, #tpu.memory_space<vmem>>, vector<1x1x16xf32>,
      %swap3A_226 = arith.constant 1 : i32
      %swap3A_227 = arith.index_cast %swap3A_226 : i32 to index
      %swap3A_228 = arith.index_cast %scan3A_149 : i32 to index
      %swap3A_229 = arith.constant 48 : index
      %swap3A_230 = tpu.vector_load %arg6[%swap3A_227, %swap3A_228, %swap3A_229] {strides = array<i32>} : memref<4x128x128xf32, #tpu.memory_space<vmem>>, vector<1x1x16xf32>,
      %swap3A_231 = vector.shape_cast %swap3A_230 : vector<1x1x16xf32> to vector<16xf32>
      %swap3A_232 = vector.shape_cast %broadcast_in_dim3A_3 : vector<16xf32> to vector<1x1x16xf32>
      tpu.vector_store %arg6[%swap3A_227, %swap3A_228, %swap3A_229], %swap3A_232 {strides = array<i32>} : memref<4x128x128xf32, #tpu.memory_space<vmem>>, vector<1x1x16xf32>,
      %swap3A_233 = arith.constant 1 : i32
      %swap3A_234 = arith.index_cast %swap3A_233 : i32 to index
      %swap3A_235 = arith.index_cast %scan3A_149 : i32 to index
      %swap3A_236 = arith.constant 64 : index
      %swap3A_237 = tpu.vector_load %arg6[%swap3A_234, %swap3A_235, %swap3A_236] {strides = array<i32>} : memref<4x128x128xf32, #tpu.memory_space<vmem>>, vector<1x1x16xf32>,
      %swap3A_238 = vector.shape_cast %swap3A_237 : vector<1x1x16xf32> to vector<16xf32>
      %swap3A_239 = vector.shape_cast %broadcast_in_dim3A_3 : vector<16xf32> to vector<1x1x16xf32>
      tpu.vector_store %arg6[%swap3A_234, %swap3A_235, %swap3A_236], %swap3A_239 {strides = array<i32>} : memref<4x128x128xf32, #tpu.memory_space<vmem>>, vector<1x1x16xf32>,
      %swap3A_240 = arith.constant 1 : i32
      %swap3A_241 = arith.index_cast %swap3A_240 : i32 to index
      %swap3A_242 = arith.index_cast %scan3A_149 : i32 to index
      %swap3A_243 = arith.constant 80 : index
      %swap3A_244 = tpu.vector_load %arg6[%swap3A_241, %swap3A_242, %swap3A_243] {strides = array<i32>} : memref<4x128x128xf32, #tpu.memory_space<vmem>>, vector<1x1x16xf32>,
      %swap3A_245 = vector.shape_cast %swap3A_244 : vector<1x1x16xf32> to vector<16xf32>
      %swap3A_246 = vector.shape_cast %broadcast_in_dim3A_3 : vector<16xf32> to vector<1x1x16xf32>
      tpu.vector_store %arg6[%swap3A_241, %swap3A_242, %swap3A_243], %swap3A_246 {strides = array<i32>} : memref<4x128x128xf32, #tpu.memory_space<vmem>>, vector<1x1x16xf32>,
      %swap3A_247 = arith.constant 1 : i32
      %swap3A_248 = arith.index_cast %swap3A_247 : i32 to index
      %swap3A_249 = arith.index_cast %scan3A_149 : i32 to index
      %swap3A_250 = arith.constant 96 : index
      %swap3A_251 = tpu.vector_load %arg6[%swap3A_248, %swap3A_249, %swap3A_250] {strides = array<i32>} : memref<4x128x128xf32, #tpu.memory_space<vmem>>, vector<1x1x16xf32>,
      %swap3A_252 = vector.shape_cast %swap3A_251 : vector<1x1x16xf32> to vector<16xf32>
      %swap3A_253 = vector.shape_cast %broadcast_in_dim3A_3 : vector<16xf32> to vector<1x1x16xf32>
      tpu.vector_store %arg6[%swap3A_248, %swap3A_249, %swap3A_250], %swap3A_253 {strides = array<i32>} : memref<4x128x128xf32, #tpu.memory_space<vmem>>, vector<1x1x16xf32>,
      %swap3A_254 = arith.constant 1 : i32
      %swap3A_255 = arith.index_cast %swap3A_254 : i32 to index
      %swap3A_256 = arith.index_cast %scan3A_149 : i32 to index
      %swap3A_257 = arith.constant 112 : index
      %swap3A_258 = tpu.vector_load %arg6[%swap3A_255, %swap3A_256, %swap3A_257] {strides = array<i32>} : memref<4x128x128xf32, #tpu.memory_space<vmem>>, vector<1x1x16xf32>,
      %swap3A_259 = vector.shape_cast %swap3A_258 : vector<1x1x16xf32> to vector<16xf32>
      %swap3A_260 = vector.shape_cast %broadcast_in_dim3A_3 : vector<16xf32> to vector<1x1x16xf32>
      tpu.vector_store %arg6[%swap3A_255, %swap3A_256, %swap3A_257], %swap3A_260 {strides = array<i32>} : memref<4x128x128xf32, #tpu.memory_space<vmem>>, vector<1x1x16xf32>,
      %swap3A_261 = arith.constant 2 : i32
      %swap3A_262 = arith.index_cast %swap3A_261 : i32 to index
      %swap3A_263 = arith.index_cast %scan3A_149 : i32 to index
      %swap3A_264 = arith.constant 0 : index
      %swap3A_265 = tpu.vector_load %arg6[%swap3A_262, %swap3A_263, %swap3A_264] {strides = array<i32>} : memref<4x128x128xf32, #tpu.memory_space<vmem>>, vector<1x1x16xf32>,
      %swap3A_266 = vector.shape_cast %swap3A_265 : vector<1x1x16xf32> to vector<16xf32>
      %swap3A_267 = vector.shape_cast %broadcast_in_dim3A_3 : vector<16xf32> to vector<1x1x16xf32>
      tpu.vector_store %arg6[%swap3A_262, %swap3A_263, %swap3A_264], %swap3A_267 {strides = array<i32>} : memref<4x128x128xf32, #tpu.memory_space<vmem>>, vector<1x1x16xf32>,
      %swap3A_268 = arith.constant 2 : i32
      %swap3A_269 = arith.index_cast %swap3A_268 : i32 to index
      %swap3A_270 = arith.index_cast %scan3A_149 : i32 to index
      %swap3A_271 = arith.constant 16 : index
      %swap3A_272 = tpu.vector_load %arg6[%swap3A_269, %swap3A_270, %swap3A_271] {strides = array<i32>} : memref<4x128x128xf32, #tpu.memory_space<vmem>>, vector<1x1x16xf32>,
      %swap3A_273 = vector.shape_cast %swap3A_272 : vector<1x1x16xf32> to vector<16xf32>
      %swap3A_274 = vector.shape_cast %broadcast_in_dim3A_3 : vector<16xf32> to vector<1x1x16xf32>
      tpu.vector_store %arg6[%swap3A_269, %swap3A_270, %swap3A_271], %swap3A_274 {strides = array<i32>} : memref<4x128x128xf32, #tpu.memory_space<vmem>>, vector<1x1x16xf32>,
      %swap3A_275 = arith.constant 2 : i32
      %swap3A_276 = arith.index_cast %swap3A_275 : i32 to index
      %swap3A_277 = arith.index_cast %scan3A_149 : i32 to index
      %swap3A_278 = arith.constant 32 : index
      %swap3A_279 = tpu.vector_load %arg6[%swap3A_276, %swap3A_277, %swap3A_278] {strides = array<i32>} : memref<4x128x128xf32, #tpu.memory_space<vmem>>, vector<1x1x16xf32>,
      %swap3A_280 = vector.shape_cast %swap3A_279 : vector<1x1x16xf32> to vector<16xf32>
      %swap3A_281 = vector.shape_cast %broadcast_in_dim3A_3 : vector<16xf32> to vector<1x1x16xf32>
      tpu.vector_store %arg6[%swap3A_276, %swap3A_277, %swap3A_278], %swap3A_281 {strides = array<i32>} : memref<4x128x128xf32, #tpu.memory_space<vmem>>, vector<1x1x16xf32>,
      %swap3A_282 = arith.constant 2 : i32
      %swap3A_283 = arith.index_cast %swap3A_282 : i32 to index
      %swap3A_284 = arith.index_cast %scan3A_149 : i32 to index
      %swap3A_285 = arith.constant 48 : index
      %swap3A_286 = tpu.vector_load %arg6[%swap3A_283, %swap3A_284, %swap3A_285] {strides = array<i32>} : memref<4x128x128xf32, #tpu.memory_space<vmem>>, vector<1x1x16xf32>,
      %swap3A_287 = vector.shape_cast %swap3A_286 : vector<1x1x16xf32> to vector<16xf32>
      %swap3A_288 = vector.shape_cast %broadcast_in_dim3A_3 : vector<16xf32> to vector<1x1x16xf32>
      tpu.vector_store %arg6[%swap3A_283, %swap3A_284, %swap3A_285], %swap3A_288 {strides = array<i32>} : memref<4x128x128xf32, #tpu.memory_space<vmem>>, vector<1x1x16xf32>,
      %swap3A_289 = arith.constant 2 : i32
      %swap3A_290 = arith.index_cast %swap3A_289 : i32 to index
      %swap3A_291 = arith.index_cast %scan3A_149 : i32 to index
      %swap3A_292 = arith.constant 64 : index
      %swap3A_293 = tpu.vector_load %arg6[%swap3A_290, %swap3A_291, %swap3A_292] {strides = array<i32>} : memref<4x128x128xf32, #tpu.memory_space<vmem>>, vector<1x1x16xf32>,
      %swap3A_294 = vector.shape_cast %swap3A_293 : vector<1x1x16xf32> to vector<16xf32>
      %swap3A_295 = vector.shape_cast %broadcast_in_dim3A_3 : vector<16xf32> to vector<1x1x16xf32>
      tpu.vector_store %arg6[%swap3A_290, %swap3A_291, %swap3A_292], %swap3A_295 {strides = array<i32>} : memref<4x128x128xf32, #tpu.memory_space<vmem>>, vector<1x1x16xf32>,
      %swap3A_296 = arith.constant 2 : i32
      %swap3A_297 = arith.index_cast %swap3A_296 : i32 to index
      %swap3A_298 = arith.index_cast %scan3A_149 : i32 to index
      %swap3A_299 = arith.constant 80 : index
      %swap3A_300 = tpu.vector_load %arg6[%swap3A_297, %swap3A_298, %swap3A_299] {strides = array<i32>} : memref<4x128x128xf32, #tpu.memory_space<vmem>>, vector<1x1x16xf32>,
      %swap3A_301 = vector.shape_cast %swap3A_300 : vector<1x1x16xf32> to vector<16xf32>
      %swap3A_302 = vector.shape_cast %broadcast_in_dim3A_3 : vector<16xf32> to vector<1x1x16xf32>
      tpu.vector_store %arg6[%swap3A_297, %swap3A_298, %swap3A_299], %swap3A_302 {strides = array<i32>} : memref<4x128x128xf32, #tpu.memory_space<vmem>>, vector<1x1x16xf32>,
      %swap3A_303 = arith.constant 2 : i32
      %swap3A_304 = arith.index_cast %swap3A_303 : i32 to index
      %swap3A_305 = arith.index_cast %scan3A_149 : i32 to index
      %swap3A_306 = arith.constant 96 : index
      %swap3A_307 = tpu.vector_load %arg6[%swap3A_304, %swap3A_305, %swap3A_306] {strides = array<i32>} : memref<4x128x128xf32, #tpu.memory_space<vmem>>, vector<1x1x16xf32>,
      %swap3A_308 = vector.shape_cast %swap3A_307 : vector<1x1x16xf32> to vector<16xf32>
      %swap3A_309 = vector.shape_cast %broadcast_in_dim3A_3 : vector<16xf32> to vector<1x1x16xf32>
      tpu.vector_store %arg6[%swap3A_304, %swap3A_305, %swap3A_306], %swap3A_309 {strides = array<i32>} : memref<4x128x128xf32, #tpu.memory_space<vmem>>, vector<1x1x16xf32>,
      %swap3A_310 = arith.constant 2 : i32
      %swap3A_311 = arith.index_cast %swap3A_310 : i32 to index
      %swap3A_312 = arith.index_cast %scan3A_149 : i32 to index
      %swap3A_313 = arith.constant 112 : index
      %swap3A_314 = tpu.vector_load %arg6[%swap3A_311, %swap3A_312, %swap3A_313] {strides = array<i32>} : memref<4x128x128xf32, #tpu.memory_space<vmem>>, vector<1x1x16xf32>,
      %swap3A_315 = vector.shape_cast %swap3A_314 : vector<1x1x16xf32> to vector<16xf32>
      %swap3A_316 = vector.shape_cast %broadcast_in_dim3A_3 : vector<16xf32> to vector<1x1x16xf32>
      tpu.vector_store %arg6[%swap3A_311, %swap3A_312, %swap3A_313], %swap3A_316 {strides = array<i32>} : memref<4x128x128xf32, #tpu.memory_space<vmem>>, vector<1x1x16xf32>,
      %swap3A_317 = arith.constant 3 : i32
      %swap3A_318 = arith.index_cast %swap3A_317 : i32 to index
      %swap3A_319 = arith.index_cast %scan3A_149 : i32 to index
      %swap3A_320 = arith.constant 0 : index
      %swap3A_321 = tpu.vector_load %arg6[%swap3A_318, %swap3A_319, %swap3A_320] {strides = array<i32>} : memref<4x128x128xf32, #tpu.memory_space<vmem>>, vector<1x1x16xf32>,
      %swap3A_322 = vector.shape_cast %swap3A_321 : vector<1x1x16xf32> to vector<16xf32>
      %swap3A_323 = vector.shape_cast %broadcast_in_dim3A_3 : vector<16xf32> to vector<1x1x16xf32>
      tpu.vector_store %arg6[%swap3A_318, %swap3A_319, %swap3A_320], %swap3A_323 {strides = array<i32>} : memref<4x128x128xf32, #tpu.memory_space<vmem>>, vector<1x1x16xf32>,
      %swap3A_324 = arith.constant 3 : i32
      %swap3A_325 = arith.index_cast %swap3A_324 : i32 to index
      %swap3A_326 = arith.index_cast %scan3A_149 : i32 to index
      %swap3A_327 = arith.constant 16 : index
      %swap3A_328 = tpu.vector_load %arg6[%swap3A_325, %swap3A_326, %swap3A_327] {strides = array<i32>} : memref<4x128x128xf32, #tpu.memory_space<vmem>>, vector<1x1x16xf32>,
      %swap3A_329 = vector.shape_cast %swap3A_328 : vector<1x1x16xf32> to vector<16xf32>
      %swap3A_330 = vector.shape_cast %broadcast_in_dim3A_3 : vector<16xf32> to vector<1x1x16xf32>
      tpu.vector_store %arg6[%swap3A_325, %swap3A_326, %swap3A_327], %swap3A_330 {strides = array<i32>} : memref<4x128x128xf32, #tpu.memory_space<vmem>>, vector<1x1x16xf32>,
      %swap3A_331 = arith.constant 3 : i32
      %swap3A_332 = arith.index_cast %swap3A_331 : i32 to index
      %swap3A_333 = arith.index_cast %scan3A_149 : i32 to index
      %swap3A_334 = arith.constant 32 : index
      %swap3A_335 = tpu.vector_load %arg6[%swap3A_332, %swap3A_333, %swap3A_334] {strides = array<i32>} : memref<4x128x128xf32, #tpu.memory_space<vmem>>, vector<1x1x16xf32>,
      %swap3A_336 = vector.shape_cast %swap3A_335 : vector<1x1x16xf32> to vector<16xf32>
      %swap3A_337 = vector.shape_cast %broadcast_in_dim3A_3 : vector<16xf32> to vector<1x1x16xf32>
      tpu.vector_store %arg6[%swap3A_332, %swap3A_333, %swap3A_334], %swap3A_337 {strides = array<i32>} : memref<4x128x128xf32, #tpu.memory_space<vmem>>, vector<1x1x16xf32>,
      %swap3A_338 = arith.constant 3 : i32
      %swap3A_339 = arith.index_cast %swap3A_338 : i32 to index
      %swap3A_340 = arith.index_cast %scan3A_149 : i32 to index
      %swap3A_341 = arith.constant 48 : index
      %swap3A_342 = tpu.vector_load %arg6[%swap3A_339, %swap3A_340, %swap3A_341] {strides = array<i32>} : memref<4x128x128xf32, #tpu.memory_space<vmem>>, vector<1x1x16xf32>,
      %swap3A_343 = vector.shape_cast %swap3A_342 : vector<1x1x16xf32> to vector<16xf32>
      %swap3A_344 = vector.shape_cast %broadcast_in_dim3A_3 : vector<16xf32> to vector<1x1x16xf32>
      tpu.vector_store %arg6[%swap3A_339, %swap3A_340, %swap3A_341], %swap3A_344 {strides = array<i32>} : memref<4x128x128xf32, #tpu.memory_space<vmem>>, vector<1x1x16xf32>,
      %swap3A_345 = arith.constant 3 : i32
      %swap3A_346 = arith.index_cast %swap3A_345 : i32 to index
      %swap3A_347 = arith.index_cast %scan3A_149 : i32 to index
      %swap3A_348 = arith.constant 64 : index
      %swap3A_349 = tpu.vector_load %arg6[%swap3A_346, %swap3A_347, %swap3A_348] {strides = array<i32>} : memref<4x128x128xf32, #tpu.memory_space<vmem>>, vector<1x1x16xf32>,
      %swap3A_350 = vector.shape_cast %swap3A_349 : vector<1x1x16xf32> to vector<16xf32>
      %swap3A_351 = vector.shape_cast %broadcast_in_dim3A_3 : vector<16xf32> to vector<1x1x16xf32>
      tpu.vector_store %arg6[%swap3A_346, %swap3A_347, %swap3A_348], %swap3A_351 {strides = array<i32>} : memref<4x128x128xf32, #tpu.memory_space<vmem>>, vector<1x1x16xf32>,
      %swap3A_352 = arith.constant 3 : i32
      %swap3A_353 = arith.index_cast %swap3A_352 : i32 to index
      %swap3A_354 = arith.index_cast %scan3A_149 : i32 to index
      %swap3A_355 = arith.constant 80 : index
      %swap3A_356 = tpu.vector_load %arg6[%swap3A_353, %swap3A_354, %swap3A_355] {strides = array<i32>} : memref<4x128x128xf32, #tpu.memory_space<vmem>>, vector<1x1x16xf32>,
      %swap3A_357 = vector.shape_cast %swap3A_356 : vector<1x1x16xf32> to vector<16xf32>
      %swap3A_358 = vector.shape_cast %broadcast_in_dim3A_3 : vector<16xf32> to vector<1x1x16xf32>
      tpu.vector_store %arg6[%swap3A_353, %swap3A_354, %swap3A_355], %swap3A_358 {strides = array<i32>} : memref<4x128x128xf32, #tpu.memory_space<vmem>>, vector<1x1x16xf32>,
      %swap3A_359 = arith.constant 3 : i32
      %swap3A_360 = arith.index_cast %swap3A_359 : i32 to index
      %swap3A_361 = arith.index_cast %scan3A_149 : i32 to index
      %swap3A_362 = arith.constant 96 : index
      %swap3A_363 = tpu.vector_load %arg6[%swap3A_360, %swap3A_361, %swap3A_362] {strides = array<i32>} : memref<4x128x128xf32, #tpu.memory_space<vmem>>, vector<1x1x16xf32>,
      %swap3A_364 = vector.shape_cast %swap3A_363 : vector<1x1x16xf32> to vector<16xf32>
      %swap3A_365 = vector.shape_cast %broadcast_in_dim3A_3 : vector<16xf32> to vector<1x1x16xf32>
      tpu.vector_store %arg6[%swap3A_360, %swap3A_361, %swap3A_362], %swap3A_365 {strides = array<i32>} : memref<4x128x128xf32, #tpu.memory_space<vmem>>, vector<1x1x16xf32>,
      %swap3A_366 = arith.constant 3 : i32
      %swap3A_367 = arith.index_cast %swap3A_366 : i32 to index
      %swap3A_368 = arith.index_cast %scan3A_149 : i32 to index
      %swap3A_369 = arith.constant 112 : index
      %swap3A_370 = tpu.vector_load %arg6[%swap3A_367, %swap3A_368, %swap3A_369] {strides = array<i32>} : memref<4x128x128xf32, #tpu.memory_space<vmem>>, vector<1x1x16xf32>,
      %swap3A_371 = vector.shape_cast %swap3A_370 : vector<1x1x16xf32> to vector<16xf32>
      %swap3A_372 = vector.shape_cast %broadcast_in_dim3A_3 : vector<16xf32> to vector<1x1x16xf32>
      tpu.vector_store %arg6[%swap3A_367, %swap3A_368, %swap3A_369], %swap3A_372 {strides = array<i32>} : memref<4x128x128xf32, #tpu.memory_space<vmem>>, vector<1x1x16xf32>,
    }
    %scan3A_8 = arith.constant 128 : i32
    %dma_start3A = arith.constant 0 : i32
    %dma_start3A_9 = arith.constant 0 : i32
    %dma_start3A_10 = arith.constant 0 : i32
    %dma_start3A_11 = arith.constant 0 : i32
    %dma_start3A_12 = arith.constant 0 : i32
    %dma_start3A_13 = arith.constant 0 : i32
    %dma_start3A_14 = tpu.memref_slice %arg6[%dma_start3A_10, %dma_start3A_12, %dma_start3A_13] : memref<4x128x128xf32, #tpu.memory_space<vmem>> -> memref<1x128x128xf32, #tpu.memory_space<vmem>>
    %dma_start3A_15 = tpu.memref_squeeze %dma_start3A_14 : memref<1x128x128xf32, #tpu.memory_space<vmem>> -> memref<128x128xf32, #tpu.memory_space<vmem>>
    %dma_start3A_16 = arith.constant 0 : i32
    %dma_start3A_17 = tpu.memref_slice %arg5[%dma_start3A, %dma_start3A_9, %dma_start3A_16] : memref<2x200x128xi32, #tpu.memory_space<vmem>> -> memref<1x1x128xi32, #tpu.memory_space<vmem>>
    %dma_start3A_18 = tpu.memref_squeeze %dma_start3A_17 : memref<1x1x128xi32, #tpu.memory_space<vmem>> -> memref<128xi32, #tpu.memory_space<vmem>>
    %dma_start3A_19 = arith.constant 0 : i32
    %dma_start3A_20 = arith.constant 0 : i32
    %dma_start3A_21 = tpu.memref_slice %arg3[%dma_start3A_19, %dma_start3A_20] : memref<1000000x128xf32, #tpu.memory_space<hbm>> -> memref<1000000x128xf32, #tpu.memory_space<hbm>>
    %dma_start3A_22 = tpu.memref_slice %arg7[%dma_start3A_11] : memref<4x!tpu.dma_semaphore, #tpu.memory_space<semaphore_mem>> -> memref<1x!tpu.dma_semaphore, #tpu.memory_space<semaphore_mem>>
    %dma_start3A_23 = tpu.memref_squeeze %dma_start3A_22 : memref<1x!tpu.dma_semaphore, #tpu.memory_space<semaphore_mem>> -> memref<!tpu.dma_semaphore, #tpu.memory_space<semaphore_mem>>
    tpu.enqueue_indirect_dma source(%dma_start3A_21 : memref<1000000x128xf32, #tpu.memory_space<hbm>>) target(%dma_start3A_15 : memref<128x128xf32, #tpu.memory_space<vmem>>) offsets(%dma_start3A_18 : memref<128xi32, #tpu.memory_space<vmem>>) semaphore(%dma_start3A_23 : memref<!tpu.dma_semaphore, #tpu.memory_space<semaphore_mem>>) {add = true}
    %dma_start3A_24 = arith.constant 1 : i32
    %dma_start3A_25 = arith.constant 0 : i32
    %dma_start3A_26 = arith.constant 1 : i32
    %dma_start3A_27 = arith.constant 1 : i32
    %dma_start3A_28 = arith.constant 0 : i32
    %dma_start3A_29 = arith.constant 0 : i32
    %dma_start3A_30 = tpu.memref_slice %arg6[%dma_start3A_26, %dma_start3A_28, %dma_start3A_29] : memref<4x128x128xf32, #tpu.memory_space<vmem>> -> memref<1x128x128xf32, #tpu.memory_space<vmem>>
    %dma_start3A_31 = tpu.memref_squeeze %dma_start3A_30 : memref<1x128x128xf32, #tpu.memory_space<vmem>> -> memref<128x128xf32, #tpu.memory_space<vmem>>
    %dma_start3A_32 = arith.constant 0 : i32
    %dma_start3A_33 = tpu.memref_slice %arg5[%dma_start3A_24, %dma_start3A_25, %dma_start3A_32] : memref<2x200x128xi32, #tpu.memory_space<vmem>> -> memref<1x1x128xi32, #tpu.memory_space<vmem>>
    %dma_start3A_34 = tpu.memref_squeeze %dma_start3A_33 : memref<1x1x128xi32, #tpu.memory_space<vmem>> -> memref<128xi32, #tpu.memory_space<vmem>>
    %dma_start3A_35 = arith.constant 0 : i32
    %dma_start3A_36 = arith.constant 0 : i32
    %dma_start3A_37 = tpu.memref_slice %arg3[%dma_start3A_35, %dma_start3A_36] : memref<1000000x128xf32, #tpu.memory_space<hbm>> -> memref<1000000x128xf32, #tpu.memory_space<hbm>>
    %dma_start3A_38 = tpu.memref_slice %arg7[%dma_start3A_27] : memref<4x!tpu.dma_semaphore, #tpu.memory_space<semaphore_mem>> -> memref<1x!tpu.dma_semaphore, #tpu.memory_space<semaphore_mem>>
    %dma_start3A_39 = tpu.memref_squeeze %dma_start3A_38 : memref<1x!tpu.dma_semaphore, #tpu.memory_space<semaphore_mem>> -> memref<!tpu.dma_semaphore, #tpu.memory_space<semaphore_mem>>
    tpu.enqueue_indirect_dma source(%dma_start3A_37 : memref<1000000x128xf32, #tpu.memory_space<hbm>>) target(%dma_start3A_31 : memref<128x128xf32, #tpu.memory_space<vmem>>) offsets(%dma_start3A_34 : memref<128xi32, #tpu.memory_space<vmem>>) semaphore(%dma_start3A_39 : memref<!tpu.dma_semaphore, #tpu.memory_space<semaphore_mem>>) {add = true}
    %dma_start3A_40 = arith.constant 0 : i32
    %dma_start3A_41 = arith.constant 1 : i32
    %dma_start3A_42 = arith.constant 2 : i32
    %dma_start3A_43 = arith.constant 2 : i32
    %dma_start3A_44 = arith.constant 0 : i32
    %dma_start3A_45 = arith.constant 0 : i32
    %dma_start3A_46 = tpu.memref_slice %arg6[%dma_start3A_42, %dma_start3A_44, %dma_start3A_45] : memref<4x128x128xf32, #tpu.memory_space<vmem>> -> memref<1x128x128xf32, #tpu.memory_space<vmem>>
    %dma_start3A_47 = tpu.memref_squeeze %dma_start3A_46 : memref<1x128x128xf32, #tpu.memory_space<vmem>> -> memref<128x128xf32, #tpu.memory_space<vmem>>
    %dma_start3A_48 = arith.constant 0 : i32
    %dma_start3A_49 = tpu.memref_slice %arg5[%dma_start3A_40, %dma_start3A_41, %dma_start3A_48] : memref<2x200x128xi32, #tpu.memory_space<vmem>> -> memref<1x1x128xi32, #tpu.memory_space<vmem>>
    %dma_start3A_50 = tpu.memref_squeeze %dma_start3A_49 : memref<1x1x128xi32, #tpu.memory_space<vmem>> -> memref<128xi32, #tpu.memory_space<vmem>>
    %dma_start3A_51 = arith.constant 0 : i32
    %dma_start3A_52 = arith.constant 0 : i32
    %dma_start3A_53 = tpu.memref_slice %arg3[%dma_start3A_51, %dma_start3A_52] : memref<1000000x128xf32, #tpu.memory_space<hbm>> -> memref<1000000x128xf32, #tpu.memory_space<hbm>>
    %dma_start3A_54 = tpu.memref_slice %arg7[%dma_start3A_43] : memref<4x!tpu.dma_semaphore, #tpu.memory_space<semaphore_mem>> -> memref<1x!tpu.dma_semaphore, #tpu.memory_space<semaphore_mem>>
    %dma_start3A_55 = tpu.memref_squeeze %dma_start3A_54 : memref<1x!tpu.dma_semaphore, #tpu.memory_space<semaphore_mem>> -> memref<!tpu.dma_semaphore, #tpu.memory_space<semaphore_mem>>
    tpu.enqueue_indirect_dma source(%dma_start3A_53 : memref<1000000x128xf32, #tpu.memory_space<hbm>>) target(%dma_start3A_47 : memref<128x128xf32, #tpu.memory_space<vmem>>) offsets(%dma_start3A_50 : memref<128xi32, #tpu.memory_space<vmem>>) semaphore(%dma_start3A_55 : memref<!tpu.dma_semaphore, #tpu.memory_space<semaphore_mem>>) {add = true}
    %dma_start3A_56 = arith.constant 1 : i32
    %dma_start3A_57 = arith.constant 1 : i32
    %dma_start3A_58 = arith.constant 3 : i32
    %dma_start3A_59 = arith.constant 3 : i32
    %dma_start3A_60 = arith.constant 0 : i32
    %dma_start3A_61 = arith.constant 0 : i32
    %dma_start3A_62 = tpu.memref_slice %arg6[%dma_start3A_58, %dma_start3A_60, %dma_start3A_61] : memref<4x128x128xf32, #tpu.memory_space<vmem>> -> memref<1x128x128xf32, #tpu.memory_space<vmem>>
    %dma_start3A_63 = tpu.memref_squeeze %dma_start3A_62 : memref<1x128x128xf32, #tpu.memory_space<vmem>> -> memref<128x128xf32, #tpu.memory_space<vmem>>
    %dma_start3A_64 = arith.constant 0 : i32
    %dma_start3A_65 = tpu.memref_slice %arg5[%dma_start3A_56, %dma_start3A_57, %dma_start3A_64] : memref<2x200x128xi32, #tpu.memory_space<vmem>> -> memref<1x1x128xi32, #tpu.memory_space<vmem>>
    %dma_start3A_66 = tpu.memref_squeeze %dma_start3A_65 : memref<1x1x128xi32, #tpu.memory_space<vmem>> -> memref<128xi32, #tpu.memory_space<vmem>>
    %dma_start3A_67 = arith.constant 0 : i32
    %dma_start3A_68 = arith.constant 0 : i32
    %dma_start3A_69 = tpu.memref_slice %arg3[%dma_start3A_67, %dma_start3A_68] : memref<1000000x128xf32, #tpu.memory_space<hbm>> -> memref<1000000x128xf32, #tpu.memory_space<hbm>>
    %dma_start3A_70 = tpu.memref_slice %arg7[%dma_start3A_59] : memref<4x!tpu.dma_semaphore, #tpu.memory_space<semaphore_mem>> -> memref<1x!tpu.dma_semaphore, #tpu.memory_space<semaphore_mem>>
    %dma_start3A_71 = tpu.memref_squeeze %dma_start3A_70 : memref<1x!tpu.dma_semaphore, #tpu.memory_space<semaphore_mem>> -> memref<!tpu.dma_semaphore, #tpu.memory_space<semaphore_mem>>
    tpu.enqueue_indirect_dma source(%dma_start3A_69 : memref<1000000x128xf32, #tpu.memory_space<hbm>>) target(%dma_start3A_63 : memref<128x128xf32, #tpu.memory_space<vmem>>) offsets(%dma_start3A_66 : memref<128xi32, #tpu.memory_space<vmem>>) semaphore(%dma_start3A_71 : memref<!tpu.dma_semaphore, #tpu.memory_space<semaphore_mem>>) {add = true}
    %scan3A_72 = arith.constant 0 : i32
    %scan3A_73 = arith.constant 1 : i32
    %scan3A_74 = arith.constant 99 : i32
    %scan3A_75 = arith.addi %scan3A_73, %scan3A_74 : i32
    %scan3A_76 = arith.constant 1 : i32
    scf.for %scan3A_149 = %scan3A_73 to %scan3A_75 step %scan3A_76  : i32 {
      %mul3A_150 = arith.constant 2 : i32
      %mul3A_151 = arith.muli %mul3A_150, %scan3A_149 : i32
      %sub3A = arith.constant 2 : i32
      %sub3A_152 = arith.subi %mul3A_151, %sub3A : i32
      %add3A_153 = arith.constant 0 : i32
      %add3A_154 = arith.addi %sub3A_152, %add3A_153 : i32
      %dma_wait3A_155 = arith.constant 0 : i32
      %dma_wait3A_156 = arith.constant 0 : i32
      %dma_wait3A_157 = arith.constant 0 : i32
      %dma_wait3A_158 = arith.constant 0 : i32
      %dma_wait3A_159 = arith.constant 0 : i32
      %dma_wait3A_160 = tpu.memref_slice %arg6[%dma_wait3A_156, %dma_wait3A_158, %dma_wait3A_159] : memref<4x128x128xf32, #tpu.memory_space<vmem>> -> memref<1x128x128xf32, #tpu.memory_space<vmem>>
      %dma_wait3A_161 = tpu.memref_squeeze %dma_wait3A_160 : memref<1x128x128xf32, #tpu.memory_space<vmem>> -> memref<128x128xf32, #tpu.memory_space<vmem>>
      %dma_wait3A_162 = arith.constant 0 : i32
      %dma_wait3A_163 = tpu.memref_slice %arg5[%dma_wait3A_155, %add3A_154, %dma_wait3A_162] : memref<2x200x128xi32, #tpu.memory_space<vmem>> -> memref<1x1x128xi32, #tpu.memory_space<vmem>>
      %dma_wait3A_164 = tpu.memref_squeeze %dma_wait3A_163 : memref<1x1x128xi32, #tpu.memory_space<vmem>> -> memref<128xi32, #tpu.memory_space<vmem>>
      %dma_wait3A_165 = arith.constant 0 : i32
      %dma_wait3A_166 = arith.constant 0 : i32
      %dma_wait3A_167 = tpu.memref_slice %arg3[%dma_wait3A_165, %dma_wait3A_166] : memref<1000000x128xf32, #tpu.memory_space<hbm>> -> memref<1000000x128xf32, #tpu.memory_space<hbm>>
      %dma_wait3A_168 = tpu.memref_slice %arg7[%dma_wait3A_157] : memref<4x!tpu.dma_semaphore, #tpu.memory_space<semaphore_mem>> -> memref<1x!tpu.dma_semaphore, #tpu.memory_space<semaphore_mem>>
      %dma_wait3A_169 = tpu.memref_squeeze %dma_wait3A_168 : memref<1x!tpu.dma_semaphore, #tpu.memory_space<semaphore_mem>> -> memref<!tpu.dma_semaphore, #tpu.memory_space<semaphore_mem>>
      tpu.wait_indirect_dma semaphore(%dma_wait3A_169 : memref<!tpu.dma_semaphore, #tpu.memory_space<semaphore_mem>>) src(%dma_wait3A_167 : memref<1000000x128xf32, #tpu.memory_space<hbm>>) dst(%dma_wait3A_161 : memref<128x128xf32, #tpu.memory_space<vmem>>)
      %add3A_170 = arith.constant 0 : i32
      %add3A_171 = arith.addi %mul3A_151, %add3A_170 : i32
      %dma_start3A_172 = arith.constant 0 : i32
      %dma_start3A_173 = arith.constant 0 : i32
      %dma_start3A_174 = arith.constant 0 : i32
      %dma_start3A_175 = arith.constant 0 : i32
      %dma_start3A_176 = arith.constant 0 : i32
      %dma_start3A_177 = tpu.memref_slice %arg6[%dma_start3A_173, %dma_start3A_175, %dma_start3A_176] : memref<4x128x128xf32, #tpu.memory_space<vmem>> -> memref<1x128x128xf32, #tpu.memory_space<vmem>>
      %dma_start3A_178 = tpu.memref_squeeze %dma_start3A_177 : memref<1x128x128xf32, #tpu.memory_space<vmem>> -> memref<128x128xf32, #tpu.memory_space<vmem>>
      %dma_start3A_179 = arith.constant 0 : i32
      %dma_start3A_180 = tpu.memref_slice %arg5[%dma_start3A_172, %add3A_171, %dma_start3A_179] : memref<2x200x128xi32, #tpu.memory_space<vmem>> -> memref<1x1x128xi32, #tpu.memory_space<vmem>>
      %dma_start3A_181 = tpu.memref_squeeze %dma_start3A_180 : memref<1x1x128xi32, #tpu.memory_space<vmem>> -> memref<128xi32, #tpu.memory_space<vmem>>
      %dma_start3A_182 = arith.constant 0 : i32
      %dma_start3A_183 = arith.constant 0 : i32
      %dma_start3A_184 = tpu.memref_slice %arg3[%dma_start3A_182, %dma_start3A_183] : memref<1000000x128xf32, #tpu.memory_space<hbm>> -> memref<1000000x128xf32, #tpu.memory_space<hbm>>
      %dma_start3A_185 = tpu.memref_slice %arg7[%dma_start3A_174] : memref<4x!tpu.dma_semaphore, #tpu.memory_space<semaphore_mem>> -> memref<1x!tpu.dma_semaphore, #tpu.memory_space<semaphore_mem>>
      %dma_start3A_186 = tpu.memref_squeeze %dma_start3A_185 : memref<1x!tpu.dma_semaphore, #tpu.memory_space<semaphore_mem>> -> memref<!tpu.dma_semaphore, #tpu.memory_space<semaphore_mem>>
      tpu.enqueue_indirect_dma source(%dma_start3A_184 : memref<1000000x128xf32, #tpu.memory_space<hbm>>) target(%dma_start3A_178 : memref<128x128xf32, #tpu.memory_space<vmem>>) offsets(%dma_start3A_181 : memref<128xi32, #tpu.memory_space<vmem>>) semaphore(%dma_start3A_186 : memref<!tpu.dma_semaphore, #tpu.memory_space<semaphore_mem>>) {add = true}
      %sub3A_187 = arith.constant 2 : i32
      %sub3A_188 = arith.subi %mul3A_151, %sub3A_187 : i32
      %add3A_189 = arith.constant 0 : i32
      %add3A_190 = arith.addi %sub3A_188, %add3A_189 : i32
      %dma_wait3A_191 = arith.constant 1 : i32
      %dma_wait3A_192 = arith.constant 1 : i32
      %dma_wait3A_193 = arith.constant 1 : i32
      %dma_wait3A_194 = arith.constant 0 : i32
      %dma_wait3A_195 = arith.constant 0 : i32
      %dma_wait3A_196 = tpu.memref_slice %arg6[%dma_wait3A_192, %dma_wait3A_194, %dma_wait3A_195] : memref<4x128x128xf32, #tpu.memory_space<vmem>> -> memref<1x128x128xf32, #tpu.memory_space<vmem>>
      %dma_wait3A_197 = tpu.memref_squeeze %dma_wait3A_196 : memref<1x128x128xf32, #tpu.memory_space<vmem>> -> memref<128x128xf32, #tpu.memory_space<vmem>>
      %dma_wait3A_198 = arith.constant 0 : i32
      %dma_wait3A_199 = tpu.memref_slice %arg5[%dma_wait3A_191, %add3A_190, %dma_wait3A_198] : memref<2x200x128xi32, #tpu.memory_space<vmem>> -> memref<1x1x128xi32, #tpu.memory_space<vmem>>
      %dma_wait3A_200 = tpu.memref_squeeze %dma_wait3A_199 : memref<1x1x128xi32, #tpu.memory_space<vmem>> -> memref<128xi32, #tpu.memory_space<vmem>>
      %dma_wait3A_201 = arith.constant 0 : i32
      %dma_wait3A_202 = arith.constant 0 : i32
      %dma_wait3A_203 = tpu.memref_slice %arg3[%dma_wait3A_201, %dma_wait3A_202] : memref<1000000x128xf32, #tpu.memory_space<hbm>> -> memref<1000000x128xf32, #tpu.memory_space<hbm>>
      %dma_wait3A_204 = tpu.memref_slice %arg7[%dma_wait3A_193] : memref<4x!tpu.dma_semaphore, #tpu.memory_space<semaphore_mem>> -> memref<1x!tpu.dma_semaphore, #tpu.memory_space<semaphore_mem>>
      %dma_wait3A_205 = tpu.memref_squeeze %dma_wait3A_204 : memref<1x!tpu.dma_semaphore, #tpu.memory_space<semaphore_mem>> -> memref<!tpu.dma_semaphore, #tpu.memory_space<semaphore_mem>>
      tpu.wait_indirect_dma semaphore(%dma_wait3A_205 : memref<!tpu.dma_semaphore, #tpu.memory_space<semaphore_mem>>) src(%dma_wait3A_203 : memref<1000000x128xf32, #tpu.memory_space<hbm>>) dst(%dma_wait3A_197 : memref<128x128xf32, #tpu.memory_space<vmem>>)
      %add3A_206 = arith.constant 0 : i32
      %add3A_207 = arith.addi %mul3A_151, %add3A_206 : i32
      %dma_start3A_208 = arith.constant 1 : i32
      %dma_start3A_209 = arith.constant 1 : i32
      %dma_start3A_210 = arith.constant 1 : i32
      %dma_start3A_211 = arith.constant 0 : i32
      %dma_start3A_212 = arith.constant 0 : i32
      %dma_start3A_213 = tpu.memref_slice %arg6[%dma_start3A_209, %dma_start3A_211, %dma_start3A_212] : memref<4x128x128xf32, #tpu.memory_space<vmem>> -> memref<1x128x128xf32, #tpu.memory_space<vmem>>
      %dma_start3A_214 = tpu.memref_squeeze %dma_start3A_213 : memref<1x128x128xf32, #tpu.memory_space<vmem>> -> memref<128x128xf32, #tpu.memory_space<vmem>>
      %dma_start3A_215 = arith.constant 0 : i32
      %dma_start3A_216 = tpu.memref_slice %arg5[%dma_start3A_208, %add3A_207, %dma_start3A_215] : memref<2x200x128xi32, #tpu.memory_space<vmem>> -> memref<1x1x128xi32, #tpu.memory_space<vmem>>
      %dma_start3A_217 = tpu.memref_squeeze %dma_start3A_216 : memref<1x1x128xi32, #tpu.memory_space<vmem>> -> memref<128xi32, #tpu.memory_space<vmem>>
      %dma_start3A_218 = arith.constant 0 : i32
      %dma_start3A_219 = arith.constant 0 : i32
      %dma_start3A_220 = tpu.memref_slice %arg3[%dma_start3A_218, %dma_start3A_219] : memref<1000000x128xf32, #tpu.memory_space<hbm>> -> memref<1000000x128xf32, #tpu.memory_space<hbm>>
      %dma_start3A_221 = tpu.memref_slice %arg7[%dma_start3A_210] : memref<4x!tpu.dma_semaphore, #tpu.memory_space<semaphore_mem>> -> memref<1x!tpu.dma_semaphore, #tpu.memory_space<semaphore_mem>>
      %dma_start3A_222 = tpu.memref_squeeze %dma_start3A_221 : memref<1x!tpu.dma_semaphore, #tpu.memory_space<semaphore_mem>> -> memref<!tpu.dma_semaphore, #tpu.memory_space<semaphore_mem>>
      tpu.enqueue_indirect_dma source(%dma_start3A_220 : memref<1000000x128xf32, #tpu.memory_space<hbm>>) target(%dma_start3A_214 : memref<128x128xf32, #tpu.memory_space<vmem>>) offsets(%dma_start3A_217 : memref<128xi32, #tpu.memory_space<vmem>>) semaphore(%dma_start3A_222 : memref<!tpu.dma_semaphore, #tpu.memory_space<semaphore_mem>>) {add = true}
      %sub3A_223 = arith.constant 2 : i32
      %sub3A_224 = arith.subi %mul3A_151, %sub3A_223 : i32
      %add3A_225 = arith.constant 1 : i32
      %add3A_226 = arith.addi %sub3A_224, %add3A_225 : i32
      %dma_wait3A_227 = arith.constant 0 : i32
      %dma_wait3A_228 = arith.constant 2 : i32
      %dma_wait3A_229 = arith.constant 2 : i32
      %dma_wait3A_230 = arith.constant 0 : i32
      %dma_wait3A_231 = arith.constant 0 : i32
      %dma_wait3A_232 = tpu.memref_slice %arg6[%dma_wait3A_228, %dma_wait3A_230, %dma_wait3A_231] : memref<4x128x128xf32, #tpu.memory_space<vmem>> -> memref<1x128x128xf32, #tpu.memory_space<vmem>>
      %dma_wait3A_233 = tpu.memref_squeeze %dma_wait3A_232 : memref<1x128x128xf32, #tpu.memory_space<vmem>> -> memref<128x128xf32, #tpu.memory_space<vmem>>
      %dma_wait3A_234 = arith.constant 0 : i32
      %dma_wait3A_235 = tpu.memref_slice %arg5[%dma_wait3A_227, %add3A_226, %dma_wait3A_234] : memref<2x200x128xi32, #tpu.memory_space<vmem>> -> memref<1x1x128xi32, #tpu.memory_space<vmem>>
      %dma_wait3A_236 = tpu.memref_squeeze %dma_wait3A_235 : memref<1x1x128xi32, #tpu.memory_space<vmem>> -> memref<128xi32, #tpu.memory_space<vmem>>
      %dma_wait3A_237 = arith.constant 0 : i32
      %dma_wait3A_238 = arith.constant 0 : i32
      %dma_wait3A_239 = tpu.memref_slice %arg3[%dma_wait3A_237, %dma_wait3A_238] : memref<1000000x128xf32, #tpu.memory_space<hbm>> -> memref<1000000x128xf32, #tpu.memory_space<hbm>>
      %dma_wait3A_240 = tpu.memref_slice %arg7[%dma_wait3A_229] : memref<4x!tpu.dma_semaphore, #tpu.memory_space<semaphore_mem>> -> memref<1x!tpu.dma_semaphore, #tpu.memory_space<semaphore_mem>>
      %dma_wait3A_241 = tpu.memref_squeeze %dma_wait3A_240 : memref<1x!tpu.dma_semaphore, #tpu.memory_space<semaphore_mem>> -> memref<!tpu.dma_semaphore, #tpu.memory_space<semaphore_mem>>
      tpu.wait_indirect_dma semaphore(%dma_wait3A_241 : memref<!tpu.dma_semaphore, #tpu.memory_space<semaphore_mem>>) src(%dma_wait3A_239 : memref<1000000x128xf32, #tpu.memory_space<hbm>>) dst(%dma_wait3A_233 : memref<128x128xf32, #tpu.memory_space<vmem>>)
      %add3A_242 = arith.constant 1 : i32
      %add3A_243 = arith.addi %mul3A_151, %add3A_242 : i32
      %dma_start3A_244 = arith.constant 0 : i32
      %dma_start3A_245 = arith.constant 2 : i32
      %dma_start3A_246 = arith.constant 2 : i32
      %dma_start3A_247 = arith.constant 0 : i32
      %dma_start3A_248 = arith.constant 0 : i32
      %dma_start3A_249 = tpu.memref_slice %arg6[%dma_start3A_245, %dma_start3A_247, %dma_start3A_248] : memref<4x128x128xf32, #tpu.memory_space<vmem>> -> memref<1x128x128xf32, #tpu.memory_space<vmem>>
      %dma_start3A_250 = tpu.memref_squeeze %dma_start3A_249 : memref<1x128x128xf32, #tpu.memory_space<vmem>> -> memref<128x128xf32, #tpu.memory_space<vmem>>
      %dma_start3A_251 = arith.constant 0 : i32
      %dma_start3A_252 = tpu.memref_slice %arg5[%dma_start3A_244, %add3A_243, %dma_start3A_251] : memref<2x200x128xi32, #tpu.memory_space<vmem>> -> memref<1x1x128xi32, #tpu.memory_space<vmem>>
      %dma_start3A_253 = tpu.memref_squeeze %dma_start3A_252 : memref<1x1x128xi32, #tpu.memory_space<vmem>> -> memref<128xi32, #tpu.memory_space<vmem>>
      %dma_start3A_254 = arith.constant 0 : i32
      %dma_start3A_255 = arith.constant 0 : i32
      %dma_start3A_256 = tpu.memref_slice %arg3[%dma_start3A_254, %dma_start3A_255] : memref<1000000x128xf32, #tpu.memory_space<hbm>> -> memref<1000000x128xf32, #tpu.memory_space<hbm>>
      %dma_start3A_257 = tpu.memref_slice %arg7[%dma_start3A_246] : memref<4x!tpu.dma_semaphore, #tpu.memory_space<semaphore_mem>> -> memref<1x!tpu.dma_semaphore, #tpu.memory_space<semaphore_mem>>
      %dma_start3A_258 = tpu.memref_squeeze %dma_start3A_257 : memref<1x!tpu.dma_semaphore, #tpu.memory_space<semaphore_mem>> -> memref<!tpu.dma_semaphore, #tpu.memory_space<semaphore_mem>>
      tpu.enqueue_indirect_dma source(%dma_start3A_256 : memref<1000000x128xf32, #tpu.memory_space<hbm>>) target(%dma_start3A_250 : memref<128x128xf32, #tpu.memory_space<vmem>>) offsets(%dma_start3A_253 : memref<128xi32, #tpu.memory_space<vmem>>) semaphore(%dma_start3A_258 : memref<!tpu.dma_semaphore, #tpu.memory_space<semaphore_mem>>) {add = true}
      %sub3A_259 = arith.constant 2 : i32
      %sub3A_260 = arith.subi %mul3A_151, %sub3A_259 : i32
      %add3A_261 = arith.constant 1 : i32
      %add3A_262 = arith.addi %sub3A_260, %add3A_261 : i32
      %dma_wait3A_263 = arith.constant 1 : i32
      %dma_wait3A_264 = arith.constant 3 : i32
      %dma_wait3A_265 = arith.constant 3 : i32
      %dma_wait3A_266 = arith.constant 0 : i32
      %dma_wait3A_267 = arith.constant 0 : i32
      %dma_wait3A_268 = tpu.memref_slice %arg6[%dma_wait3A_264, %dma_wait3A_266, %dma_wait3A_267] : memref<4x128x128xf32, #tpu.memory_space<vmem>> -> memref<1x128x128xf32, #tpu.memory_space<vmem>>
      %dma_wait3A_269 = tpu.memref_squeeze %dma_wait3A_268 : memref<1x128x128xf32, #tpu.memory_space<vmem>> -> memref<128x128xf32, #tpu.memory_space<vmem>>
      %dma_wait3A_270 = arith.constant 0 : i32
      %dma_wait3A_271 = tpu.memref_slice %arg5[%dma_wait3A_263, %add3A_262, %dma_wait3A_270] : memref<2x200x128xi32, #tpu.memory_space<vmem>> -> memref<1x1x128xi32, #tpu.memory_space<vmem>>
      %dma_wait3A_272 = tpu.memref_squeeze %dma_wait3A_271 : memref<1x1x128xi32, #tpu.memory_space<vmem>> -> memref<128xi32, #tpu.memory_space<vmem>>
      %dma_wait3A_273 = arith.constant 0 : i32
      %dma_wait3A_274 = arith.constant 0 : i32
      %dma_wait3A_275 = tpu.memref_slice %arg3[%dma_wait3A_273, %dma_wait3A_274] : memref<1000000x128xf32, #tpu.memory_space<hbm>> -> memref<1000000x128xf32, #tpu.memory_space<hbm>>
      %dma_wait3A_276 = tpu.memref_slice %arg7[%dma_wait3A_265] : memref<4x!tpu.dma_semaphore, #tpu.memory_space<semaphore_mem>> -> memref<1x!tpu.dma_semaphore, #tpu.memory_space<semaphore_mem>>
      %dma_wait3A_277 = tpu.memref_squeeze %dma_wait3A_276 : memref<1x!tpu.dma_semaphore, #tpu.memory_space<semaphore_mem>> -> memref<!tpu.dma_semaphore, #tpu.memory_space<semaphore_mem>>
      tpu.wait_indirect_dma semaphore(%dma_wait3A_277 : memref<!tpu.dma_semaphore, #tpu.memory_space<semaphore_mem>>) src(%dma_wait3A_275 : memref<1000000x128xf32, #tpu.memory_space<hbm>>) dst(%dma_wait3A_269 : memref<128x128xf32, #tpu.memory_space<vmem>>)
      %add3A_278 = arith.constant 1 : i32
      %add3A_279 = arith.addi %mul3A_151, %add3A_278 : i32
      %dma_start3A_280 = arith.constant 1 : i32
      %dma_start3A_281 = arith.constant 3 : i32
      %dma_start3A_282 = arith.constant 3 : i32
      %dma_start3A_283 = arith.constant 0 : i32
      %dma_start3A_284 = arith.constant 0 : i32
      %dma_start3A_285 = tpu.memref_slice %arg6[%dma_start3A_281, %dma_start3A_283, %dma_start3A_284] : memref<4x128x128xf32, #tpu.memory_space<vmem>> -> memref<1x128x128xf32, #tpu.memory_space<vmem>>
      %dma_start3A_286 = tpu.memref_squeeze %dma_start3A_285 : memref<1x128x128xf32, #tpu.memory_space<vmem>> -> memref<128x128xf32, #tpu.memory_space<vmem>>
      %dma_start3A_287 = arith.constant 0 : i32
      %dma_start3A_288 = tpu.memref_slice %arg5[%dma_start3A_280, %add3A_279, %dma_start3A_287] : memref<2x200x128xi32, #tpu.memory_space<vmem>> -> memref<1x1x128xi32, #tpu.memory_space<vmem>>
      %dma_start3A_289 = tpu.memref_squeeze %dma_start3A_288 : memref<1x1x128xi32, #tpu.memory_space<vmem>> -> memref<128xi32, #tpu.memory_space<vmem>>
      %dma_start3A_290 = arith.constant 0 : i32
      %dma_start3A_291 = arith.constant 0 : i32
      %dma_start3A_292 = tpu.memref_slice %arg3[%dma_start3A_290, %dma_start3A_291] : memref<1000000x128xf32, #tpu.memory_space<hbm>> -> memref<1000000x128xf32, #tpu.memory_space<hbm>>
      %dma_start3A_293 = tpu.memref_slice %arg7[%dma_start3A_282] : memref<4x!tpu.dma_semaphore, #tpu.memory_space<semaphore_mem>> -> memref<1x!tpu.dma_semaphore, #tpu.memory_space<semaphore_mem>>
      %dma_start3A_294 = tpu.memref_squeeze %dma_start3A_293 : memref<1x!tpu.dma_semaphore, #tpu.memory_space<semaphore_mem>> -> memref<!tpu.dma_semaphore, #tpu.memory_space<semaphore_mem>>
      tpu.enqueue_indirect_dma source(%dma_start3A_292 : memref<1000000x128xf32, #tpu.memory_space<hbm>>) target(%dma_start3A_286 : memref<128x128xf32, #tpu.memory_space<vmem>>) offsets(%dma_start3A_289 : memref<128xi32, #tpu.memory_space<vmem>>) semaphore(%dma_start3A_294 : memref<!tpu.dma_semaphore, #tpu.memory_space<semaphore_mem>>) {add = true}
    }
    %scan3A_77 = arith.constant 99 : i32
    %dma_wait3A = arith.constant 0 : i32
    %dma_wait3A_78 = arith.constant 198 : i32
    %dma_wait3A_79 = arith.constant 0 : i32
    %dma_wait3A_80 = arith.constant 0 : i32
    %dma_wait3A_81 = arith.constant 0 : i32
    %dma_wait3A_82 = arith.constant 0 : i32
    %dma_wait3A_83 = tpu.memref_slice %arg6[%dma_wait3A_79, %dma_wait3A_81, %dma_wait3A_82] : memref<4x128x128xf32, #tpu.memory_space<vmem>> -> memref<1x128x128xf32, #tpu.memory_space<vmem>>
    %dma_wait3A_84 = tpu.memref_squeeze %dma_wait3A_83 : memref<1x128x128xf32, #tpu.memory_space<vmem>> -> memref<128x128xf32, #tpu.memory_space<vmem>>
    %dma_wait3A_85 = arith.constant 0 : i32
    %dma_wait3A_86 = tpu.memref_slice %arg5[%dma_wait3A, %dma_wait3A_78, %dma_wait3A_85] : memref<2x200x128xi32, #tpu.memory_space<vmem>> -> memref<1x1x128xi32, #tpu.memory_space<vmem>>
    %dma_wait3A_87 = tpu.memref_squeeze %dma_wait3A_86 : memref<1x1x128xi32, #tpu.memory_space<vmem>> -> memref<128xi32, #tpu.memory_space<vmem>>
    %dma_wait3A_88 = arith.constant 0 : i32
    %dma_wait3A_89 = arith.constant 0 : i32
    %dma_wait3A_90 = tpu.memref_slice %arg3[%dma_wait3A_88, %dma_wait3A_89] : memref<1000000x128xf32, #tpu.memory_space<hbm>> -> memref<1000000x128xf32, #tpu.memory_space<hbm>>
    %dma_wait3A_91 = tpu.memref_slice %arg7[%dma_wait3A_80] : memref<4x!tpu.dma_semaphore, #tpu.memory_space<semaphore_mem>> -> memref<1x!tpu.dma_semaphore, #tpu.memory_space<semaphore_mem>>
    %dma_wait3A_92 = tpu.memref_squeeze %dma_wait3A_91 : memref<1x!tpu.dma_semaphore, #tpu.memory_space<semaphore_mem>> -> memref<!tpu.dma_semaphore, #tpu.memory_space<semaphore_mem>>
    tpu.wait_indirect_dma semaphore(%dma_wait3A_92 : memref<!tpu.dma_semaphore, #tpu.memory_space<semaphore_mem>>) src(%dma_wait3A_90 : memref<1000000x128xf32, #tpu.memory_space<hbm>>) dst(%dma_wait3A_84 : memref<128x128xf32, #tpu.memory_space<vmem>>)
    %dma_wait3A_93 = arith.constant 1 : i32
    %dma_wait3A_94 = arith.constant 198 : i32
    %dma_wait3A_95 = arith.constant 1 : i32
    %dma_wait3A_96 = arith.constant 1 : i32
    %dma_wait3A_97 = arith.constant 0 : i32
    %dma_wait3A_98 = arith.constant 0 : i32
    %dma_wait3A_99 = tpu.memref_slice %arg6[%dma_wait3A_95, %dma_wait3A_97, %dma_wait3A_98] : memref<4x128x128xf32, #tpu.memory_space<vmem>> -> memref<1x128x128xf32, #tpu.memory_space<vmem>>
    %dma_wait3A_100 = tpu.memref_squeeze %dma_wait3A_99 : memref<1x128x128xf32, #tpu.memory_space<vmem>> -> memref<128x128xf32, #tpu.memory_space<vmem>>
    %dma_wait3A_101 = arith.constant 0 : i32
    %dma_wait3A_102 = tpu.memref_slice %arg5[%dma_wait3A_93, %dma_wait3A_94, %dma_wait3A_101] : memref<2x200x128xi32, #tpu.memory_space<vmem>> -> memref<1x1x128xi32, #tpu.memory_space<vmem>>
    %dma_wait3A_103 = tpu.memref_squeeze %dma_wait3A_102 : memref<1x1x128xi32, #tpu.memory_space<vmem>> -> memref<128xi32, #tpu.memory_space<vmem>>
    %dma_wait3A_104 = arith.constant 0 : i32
    %dma_wait3A_105 = arith.constant 0 : i32
    %dma_wait3A_106 = tpu.memref_slice %arg3[%dma_wait3A_104, %dma_wait3A_105] : memref<1000000x128xf32, #tpu.memory_space<hbm>> -> memref<1000000x128xf32, #tpu.memory_space<hbm>>
    %dma_wait3A_107 = tpu.memref_slice %arg7[%dma_wait3A_96] : memref<4x!tpu.dma_semaphore, #tpu.memory_space<semaphore_mem>> -> memref<1x!tpu.dma_semaphore, #tpu.memory_space<semaphore_mem>>
    %dma_wait3A_108 = tpu.memref_squeeze %dma_wait3A_107 : memref<1x!tpu.dma_semaphore, #tpu.memory_space<semaphore_mem>> -> memref<!tpu.dma_semaphore, #tpu.memory_space<semaphore_mem>>
    tpu.wait_indirect_dma semaphore(%dma_wait3A_108 : memref<!tpu.dma_semaphore, #tpu.memory_space<semaphore_mem>>) src(%dma_wait3A_106 : memref<1000000x128xf32, #tpu.memory_space<hbm>>) dst(%dma_wait3A_100 : memref<128x128xf32, #tpu.memory_space<vmem>>)
    %dma_wait3A_109 = arith.constant 0 : i32
    %dma_wait3A_110 = arith.constant 199 : i32
    %dma_wait3A_111 = arith.constant 2 : i32
    %dma_wait3A_112 = arith.constant 2 : i32
    %dma_wait3A_113 = arith.constant 0 : i32
    %dma_wait3A_114 = arith.constant 0 : i32
    %dma_wait3A_115 = tpu.memref_slice %arg6[%dma_wait3A_111, %dma_wait3A_113, %dma_wait3A_114] : memref<4x128x128xf32, #tpu.memory_space<vmem>> -> memref<1x128x128xf32, #tpu.memory_space<vmem>>
    %dma_wait3A_116 = tpu.memref_squeeze %dma_wait3A_115 : memref<1x128x128xf32, #tpu.memory_space<vmem>> -> memref<128x128xf32, #tpu.memory_space<vmem>>
    %dma_wait3A_117 = arith.constant 0 : i32
    %dma_wait3A_118 = tpu.memref_slice %arg5[%dma_wait3A_109, %dma_wait3A_110, %dma_wait3A_117] : memref<2x200x128xi32, #tpu.memory_space<vmem>> -> memref<1x1x128xi32, #tpu.memory_space<vmem>>
    %dma_wait3A_119 = tpu.memref_squeeze %dma_wait3A_118 : memref<1x1x128xi32, #tpu.memory_space<vmem>> -> memref<128xi32, #tpu.memory_space<vmem>>
    %dma_wait3A_120 = arith.constant 0 : i32
    %dma_wait3A_121 = arith.constant 0 : i32
    %dma_wait3A_122 = tpu.memref_slice %arg3[%dma_wait3A_120, %dma_wait3A_121] : memref<1000000x128xf32, #tpu.memory_space<hbm>> -> memref<1000000x128xf32, #tpu.memory_space<hbm>>
    %dma_wait3A_123 = tpu.memref_slice %arg7[%dma_wait3A_112] : memref<4x!tpu.dma_semaphore, #tpu.memory_space<semaphore_mem>> -> memref<1x!tpu.dma_semaphore, #tpu.memory_space<semaphore_mem>>
    %dma_wait3A_124 = tpu.memref_squeeze %dma_wait3A_123 : memref<1x!tpu.dma_semaphore, #tpu.memory_space<semaphore_mem>> -> memref<!tpu.dma_semaphore, #tpu.memory_space<semaphore_mem>>
    tpu.wait_indirect_dma semaphore(%dma_wait3A_124 : memref<!tpu.dma_semaphore, #tpu.memory_space<semaphore_mem>>) src(%dma_wait3A_122 : memref<1000000x128xf32, #tpu.memory_space<hbm>>) dst(%dma_wait3A_116 : memref<128x128xf32, #tpu.memory_space<vmem>>)
    %dma_wait3A_125 = arith.constant 1 : i32
    %dma_wait3A_126 = arith.constant 199 : i32
    %dma_wait3A_127 = arith.constant 3 : i32
    %dma_wait3A_128 = arith.constant 3 : i32
    %dma_wait3A_129 = arith.constant 0 : i32
    %dma_wait3A_130 = arith.constant 0 : i32
    %dma_wait3A_131 = tpu.memref_slice %arg6[%dma_wait3A_127, %dma_wait3A_129, %dma_wait3A_130] : memref<4x128x128xf32, #tpu.memory_space<vmem>> -> memref<1x128x128xf32, #tpu.memory_space<vmem>>
    %dma_wait3A_132 = tpu.memref_squeeze %dma_wait3A_131 : memref<1x128x128xf32, #tpu.memory_space<vmem>> -> memref<128x128xf32, #tpu.memory_space<vmem>>
    %dma_wait3A_133 = arith.constant 0 : i32
    %dma_wait3A_134 = tpu.memref_slice %arg5[%dma_wait3A_125, %dma_wait3A_126, %dma_wait3A_133] : memref<2x200x128xi32, #tpu.memory_space<vmem>> -> memref<1x1x128xi32, #tpu.memory_space<vmem>>
    %dma_wait3A_135 = tpu.memref_squeeze %dma_wait3A_134 : memref<1x1x128xi32, #tpu.memory_space<vmem>> -> memref<128xi32, #tpu.memory_space<vmem>>
    %dma_wait3A_136 = arith.constant 0 : i32
    %dma_wait3A_137 = arith.constant 0 : i32
    %dma_wait3A_138 = tpu.memref_slice %arg3[%dma_wait3A_136, %dma_wait3A_137] : memref<1000000x128xf32, #tpu.memory_space<hbm>> -> memref<1000000x128xf32, #tpu.memory_space<hbm>>
    %dma_wait3A_139 = tpu.memref_slice %arg7[%dma_wait3A_128] : memref<4x!tpu.dma_semaphore, #tpu.memory_space<semaphore_mem>> -> memref<1x!tpu.dma_semaphore, #tpu.memory_space<semaphore_mem>>
    %dma_wait3A_140 = tpu.memref_squeeze %dma_wait3A_139 : memref<1x!tpu.dma_semaphore, #tpu.memory_space<semaphore_mem>> -> memref<!tpu.dma_semaphore, #tpu.memory_space<semaphore_mem>>
    tpu.wait_indirect_dma semaphore(%dma_wait3A_140 : memref<!tpu.dma_semaphore, #tpu.memory_space<semaphore_mem>>) src(%dma_wait3A_138 : memref<1000000x128xf32, #tpu.memory_space<hbm>>) dst(%dma_wait3A_132 : memref<128x128xf32, #tpu.memory_space<vmem>>)
    %scan3A_141 = arith.constant 0 : i32
    %scan3A_142 = arith.constant 0 : i32
    %scan3A_143 = arith.constant 128 : i32
    %scan3A_144 = arith.addi %scan3A_142, %scan3A_143 : i32
    %scan3A_145 = arith.constant 1 : i32
    scf.for %scan3A_149 = %scan3A_142 to %scan3A_144 step %scan3A_145  : i32 {
      %get3A = arith.constant 2 : i32
      %get3A_150 = arith.index_cast %get3A : i32 to index
      %get3A_151 = arith.index_cast %scan3A_149 : i32 to index
      %get3A_152 = arith.constant 0 : index
      %get3A_153 = tpu.vector_load %arg6[%get3A_150, %get3A_151, %get3A_152] {strides = array<i32>} : memref<4x128x128xf32, #tpu.memory_space<vmem>>, vector<1x1x16xf32>,
      %get3A_154 = vector.shape_cast %get3A_153 : vector<1x1x16xf32> to vector<16xf32>
      %swap3A = arith.constant 0 : i32
      %swap3A_155 = arith.index_cast %swap3A : i32 to index
      %swap3A_156 = arith.index_cast %scan3A_149 : i32 to index
      %swap3A_157 = arith.constant 0 : index
      %swap3A_158 = tpu.vector_load %arg6[%swap3A_155, %swap3A_156, %swap3A_157] {strides = array<i32>} : memref<4x128x128xf32, #tpu.memory_space<vmem>>, vector<1x1x16xf32>,
      %swap3A_159 = vector.shape_cast %swap3A_158 : vector<1x1x16xf32> to vector<16xf32>
      %swap3A_160 = vector.shape_cast %get3A_154 : vector<16xf32> to vector<1x1x16xf32>
      tpu.vector_store %arg6[%swap3A_155, %swap3A_156, %swap3A_157], %swap3A_160 {add = true, strides = array<i32>} : memref<4x128x128xf32, #tpu.memory_space<vmem>>, vector<1x1x16xf32>,
      %get3A_161 = arith.constant 2 : i32
      %get3A_162 = arith.index_cast %get3A_161 : i32 to index
      %get3A_163 = arith.index_cast %scan3A_149 : i32 to index
      %get3A_164 = arith.constant 16 : index
      %get3A_165 = tpu.vector_load %arg6[%get3A_162, %get3A_163, %get3A_164] {strides = array<i32>} : memref<4x128x128xf32, #tpu.memory_space<vmem>>, vector<1x1x16xf32>,
      %get3A_166 = vector.shape_cast %get3A_165 : vector<1x1x16xf32> to vector<16xf32>
      %swap3A_167 = arith.constant 0 : i32
      %swap3A_168 = arith.index_cast %swap3A_167 : i32 to index
      %swap3A_169 = arith.index_cast %scan3A_149 : i32 to index
      %swap3A_170 = arith.constant 16 : index
      %swap3A_171 = tpu.vector_load %arg6[%swap3A_168, %swap3A_169, %swap3A_170] {strides = array<i32>} : memref<4x128x128xf32, #tpu.memory_space<vmem>>, vector<1x1x16xf32>,
      %swap3A_172 = vector.shape_cast %swap3A_171 : vector<1x1x16xf32> to vector<16xf32>
      %swap3A_173 = vector.shape_cast %get3A_166 : vector<16xf32> to vector<1x1x16xf32>
      tpu.vector_store %arg6[%swap3A_168, %swap3A_169, %swap3A_170], %swap3A_173 {add = true, strides = array<i32>} : memref<4x128x128xf32, #tpu.memory_space<vmem>>, vector<1x1x16xf32>,
      %get3A_174 = arith.constant 2 : i32
      %get3A_175 = arith.index_cast %get3A_174 : i32 to index
      %get3A_176 = arith.index_cast %scan3A_149 : i32 to index
      %get3A_177 = arith.constant 32 : index
      %get3A_178 = tpu.vector_load %arg6[%get3A_175, %get3A_176, %get3A_177] {strides = array<i32>} : memref<4x128x128xf32, #tpu.memory_space<vmem>>, vector<1x1x16xf32>,
      %get3A_179 = vector.shape_cast %get3A_178 : vector<1x1x16xf32> to vector<16xf32>
      %swap3A_180 = arith.constant 0 : i32
      %swap3A_181 = arith.index_cast %swap3A_180 : i32 to index
      %swap3A_182 = arith.index_cast %scan3A_149 : i32 to index
      %swap3A_183 = arith.constant 32 : index
      %swap3A_184 = tpu.vector_load %arg6[%swap3A_181, %swap3A_182, %swap3A_183] {strides = array<i32>} : memref<4x128x128xf32, #tpu.memory_space<vmem>>, vector<1x1x16xf32>,
      %swap3A_185 = vector.shape_cast %swap3A_184 : vector<1x1x16xf32> to vector<16xf32>
      %swap3A_186 = vector.shape_cast %get3A_179 : vector<16xf32> to vector<1x1x16xf32>
      tpu.vector_store %arg6[%swap3A_181, %swap3A_182, %swap3A_183], %swap3A_186 {add = true, strides = array<i32>} : memref<4x128x128xf32, #tpu.memory_space<vmem>>, vector<1x1x16xf32>,
      %get3A_187 = arith.constant 2 : i32
      %get3A_188 = arith.index_cast %get3A_187 : i32 to index
      %get3A_189 = arith.index_cast %scan3A_149 : i32 to index
      %get3A_190 = arith.constant 48 : index
      %get3A_191 = tpu.vector_load %arg6[%get3A_188, %get3A_189, %get3A_190] {strides = array<i32>} : memref<4x128x128xf32, #tpu.memory_space<vmem>>, vector<1x1x16xf32>,
      %get3A_192 = vector.shape_cast %get3A_191 : vector<1x1x16xf32> to vector<16xf32>
      %swap3A_193 = arith.constant 0 : i32
      %swap3A_194 = arith.index_cast %swap3A_193 : i32 to index
      %swap3A_195 = arith.index_cast %scan3A_149 : i32 to index
      %swap3A_196 = arith.constant 48 : index
      %swap3A_197 = tpu.vector_load %arg6[%swap3A_194, %swap3A_195, %swap3A_196] {strides = array<i32>} : memref<4x128x128xf32, #tpu.memory_space<vmem>>, vector<1x1x16xf32>,
      %swap3A_198 = vector.shape_cast %swap3A_197 : vector<1x1x16xf32> to vector<16xf32>
      %swap3A_199 = vector.shape_cast %get3A_192 : vector<16xf32> to vector<1x1x16xf32>
      tpu.vector_store %arg6[%swap3A_194, %swap3A_195, %swap3A_196], %swap3A_199 {add = true, strides = array<i32>} : memref<4x128x128xf32, #tpu.memory_space<vmem>>, vector<1x1x16xf32>,
      %get3A_200 = arith.constant 2 : i32
      %get3A_201 = arith.index_cast %get3A_200 : i32 to index
      %get3A_202 = arith.index_cast %scan3A_149 : i32 to index
      %get3A_203 = arith.constant 64 : index
      %get3A_204 = tpu.vector_load %arg6[%get3A_201, %get3A_202, %get3A_203] {strides = array<i32>} : memref<4x128x128xf32, #tpu.memory_space<vmem>>, vector<1x1x16xf32>,
      %get3A_205 = vector.shape_cast %get3A_204 : vector<1x1x16xf32> to vector<16xf32>
      %swap3A_206 = arith.constant 0 : i32
      %swap3A_207 = arith.index_cast %swap3A_206 : i32 to index
      %swap3A_208 = arith.index_cast %scan3A_149 : i32 to index
      %swap3A_209 = arith.constant 64 : index
      %swap3A_210 = tpu.vector_load %arg6[%swap3A_207, %swap3A_208, %swap3A_209] {strides = array<i32>} : memref<4x128x128xf32, #tpu.memory_space<vmem>>, vector<1x1x16xf32>,
      %swap3A_211 = vector.shape_cast %swap3A_210 : vector<1x1x16xf32> to vector<16xf32>
      %swap3A_212 = vector.shape_cast %get3A_205 : vector<16xf32> to vector<1x1x16xf32>
      tpu.vector_store %arg6[%swap3A_207, %swap3A_208, %swap3A_209], %swap3A_212 {add = true, strides = array<i32>} : memref<4x128x128xf32, #tpu.memory_space<vmem>>, vector<1x1x16xf32>,
      %get3A_213 = arith.constant 2 : i32
      %get3A_214 = arith.index_cast %get3A_213 : i32 to index
      %get3A_215 = arith.index_cast %scan3A_149 : i32 to index
      %get3A_216 = arith.constant 80 : index
      %get3A_217 = tpu.vector_load %arg6[%get3A_214, %get3A_215, %get3A_216] {strides = array<i32>} : memref<4x128x128xf32, #tpu.memory_space<vmem>>, vector<1x1x16xf32>,
      %get3A_218 = vector.shape_cast %get3A_217 : vector<1x1x16xf32> to vector<16xf32>
      %swap3A_219 = arith.constant 0 : i32
      %swap3A_220 = arith.index_cast %swap3A_219 : i32 to index
      %swap3A_221 = arith.index_cast %scan3A_149 : i32 to index
      %swap3A_222 = arith.constant 80 : index
      %swap3A_223 = tpu.vector_load %arg6[%swap3A_220, %swap3A_221, %swap3A_222] {strides = array<i32>} : memref<4x128x128xf32, #tpu.memory_space<vmem>>, vector<1x1x16xf32>,
      %swap3A_224 = vector.shape_cast %swap3A_223 : vector<1x1x16xf32> to vector<16xf32>
      %swap3A_225 = vector.shape_cast %get3A_218 : vector<16xf32> to vector<1x1x16xf32>
      tpu.vector_store %arg6[%swap3A_220, %swap3A_221, %swap3A_222], %swap3A_225 {add = true, strides = array<i32>} : memref<4x128x128xf32, #tpu.memory_space<vmem>>, vector<1x1x16xf32>,
      %get3A_226 = arith.constant 2 : i32
      %get3A_227 = arith.index_cast %get3A_226 : i32 to index
      %get3A_228 = arith.index_cast %scan3A_149 : i32 to index
      %get3A_229 = arith.constant 96 : index
      %get3A_230 = tpu.vector_load %arg6[%get3A_227, %get3A_228, %get3A_229] {strides = array<i32>} : memref<4x128x128xf32, #tpu.memory_space<vmem>>, vector<1x1x16xf32>,
      %get3A_231 = vector.shape_cast %get3A_230 : vector<1x1x16xf32> to vector<16xf32>
      %swap3A_232 = arith.constant 0 : i32
      %swap3A_233 = arith.index_cast %swap3A_232 : i32 to index
      %swap3A_234 = arith.index_cast %scan3A_149 : i32 to index
      %swap3A_235 = arith.constant 96 : index
      %swap3A_236 = tpu.vector_load %arg6[%swap3A_233, %swap3A_234, %swap3A_235] {strides = array<i32>} : memref<4x128x128xf32, #tpu.memory_space<vmem>>, vector<1x1x16xf32>,
      %swap3A_237 = vector.shape_cast %swap3A_236 : vector<1x1x16xf32> to vector<16xf32>
      %swap3A_238 = vector.shape_cast %get3A_231 : vector<16xf32> to vector<1x1x16xf32>
      tpu.vector_store %arg6[%swap3A_233, %swap3A_234, %swap3A_235], %swap3A_238 {add = true, strides = array<i32>} : memref<4x128x128xf32, #tpu.memory_space<vmem>>, vector<1x1x16xf32>,
      %get3A_239 = arith.constant 2 : i32
      %get3A_240 = arith.index_cast %get3A_239 : i32 to index
      %get3A_241 = arith.index_cast %scan3A_149 : i32 to index
      %get3A_242 = arith.constant 112 : index
      %get3A_243 = tpu.vector_load %arg6[%get3A_240, %get3A_241, %get3A_242] {strides = array<i32>} : memref<4x128x128xf32, #tpu.memory_space<vmem>>, vector<1x1x16xf32>,
      %get3A_244 = vector.shape_cast %get3A_243 : vector<1x1x16xf32> to vector<16xf32>
      %swap3A_245 = arith.constant 0 : i32
      %swap3A_246 = arith.index_cast %swap3A_245 : i32 to index
      %swap3A_247 = arith.index_cast %scan3A_149 : i32 to index
      %swap3A_248 = arith.constant 112 : index
      %swap3A_249 = tpu.vector_load %arg6[%swap3A_246, %swap3A_247, %swap3A_248] {strides = array<i32>} : memref<4x128x128xf32, #tpu.memory_space<vmem>>, vector<1x1x16xf32>,
      %swap3A_250 = vector.shape_cast %swap3A_249 : vector<1x1x16xf32> to vector<16xf32>
      %swap3A_251 = vector.shape_cast %get3A_244 : vector<16xf32> to vector<1x1x16xf32>
      tpu.vector_store %arg6[%swap3A_246, %swap3A_247, %swap3A_248], %swap3A_251 {add = true, strides = array<i32>} : memref<4x128x128xf32, #tpu.memory_space<vmem>>, vector<1x1x16xf32>,
      %get3A_252 = arith.constant 3 : i32
      %get3A_253 = arith.index_cast %get3A_252 : i32 to index
      %get3A_254 = arith.index_cast %scan3A_149 : i32 to index
      %get3A_255 = arith.constant 0 : index
      %get3A_256 = tpu.vector_load %arg6[%get3A_253, %get3A_254, %get3A_255] {strides = array<i32>} : memref<4x128x128xf32, #tpu.memory_space<vmem>>, vector<1x1x16xf32>,
      %get3A_257 = vector.shape_cast %get3A_256 : vector<1x1x16xf32> to vector<16xf32>
      %swap3A_258 = arith.constant 1 : i32
      %swap3A_259 = arith.index_cast %swap3A_258 : i32 to index
      %swap3A_260 = arith.index_cast %scan3A_149 : i32 to index
      %swap3A_261 = arith.constant 0 : index
      %swap3A_262 = tpu.vector_load %arg6[%swap3A_259, %swap3A_260, %swap3A_261] {strides = array<i32>} : memref<4x128x128xf32, #tpu.memory_space<vmem>>, vector<1x1x16xf32>,
      %swap3A_263 = vector.shape_cast %swap3A_262 : vector<1x1x16xf32> to vector<16xf32>
      %swap3A_264 = vector.shape_cast %get3A_257 : vector<16xf32> to vector<1x1x16xf32>
      tpu.vector_store %arg6[%swap3A_259, %swap3A_260, %swap3A_261], %swap3A_264 {add = true, strides = array<i32>} : memref<4x128x128xf32, #tpu.memory_space<vmem>>, vector<1x1x16xf32>,
      %get3A_265 = arith.constant 3 : i32
      %get3A_266 = arith.index_cast %get3A_265 : i32 to index
      %get3A_267 = arith.index_cast %scan3A_149 : i32 to index
      %get3A_268 = arith.constant 16 : index
      %get3A_269 = tpu.vector_load %arg6[%get3A_266, %get3A_267, %get3A_268] {strides = array<i32>} : memref<4x128x128xf32, #tpu.memory_space<vmem>>, vector<1x1x16xf32>,
      %get3A_270 = vector.shape_cast %get3A_269 : vector<1x1x16xf32> to vector<16xf32>
      %swap3A_271 = arith.constant 1 : i32
      %swap3A_272 = arith.index_cast %swap3A_271 : i32 to index
      %swap3A_273 = arith.index_cast %scan3A_149 : i32 to index
      %swap3A_274 = arith.constant 16 : index
      %swap3A_275 = tpu.vector_load %arg6[%swap3A_272, %swap3A_273, %swap3A_274] {strides = array<i32>} : memref<4x128x128xf32, #tpu.memory_space<vmem>>, vector<1x1x16xf32>,
      %swap3A_276 = vector.shape_cast %swap3A_275 : vector<1x1x16xf32> to vector<16xf32>
      %swap3A_277 = vector.shape_cast %get3A_270 : vector<16xf32> to vector<1x1x16xf32>
      tpu.vector_store %arg6[%swap3A_272, %swap3A_273, %swap3A_274], %swap3A_277 {add = true, strides = array<i32>} : memref<4x128x128xf32, #tpu.memory_space<vmem>>, vector<1x1x16xf32>,
      %get3A_278 = arith.constant 3 : i32
      %get3A_279 = arith.index_cast %get3A_278 : i32 to index
      %get3A_280 = arith.index_cast %scan3A_149 : i32 to index
      %get3A_281 = arith.constant 32 : index
      %get3A_282 = tpu.vector_load %arg6[%get3A_279, %get3A_280, %get3A_281] {strides = array<i32>} : memref<4x128x128xf32, #tpu.memory_space<vmem>>, vector<1x1x16xf32>,
      %get3A_283 = vector.shape_cast %get3A_282 : vector<1x1x16xf32> to vector<16xf32>
      %swap3A_284 = arith.constant 1 : i32
      %swap3A_285 = arith.index_cast %swap3A_284 : i32 to index
      %swap3A_286 = arith.index_cast %scan3A_149 : i32 to index
      %swap3A_287 = arith.constant 32 : index
      %swap3A_288 = tpu.vector_load %arg6[%swap3A_285, %swap3A_286, %swap3A_287] {strides = array<i32>} : memref<4x128x128xf32, #tpu.memory_space<vmem>>, vector<1x1x16xf32>,
      %swap3A_289 = vector.shape_cast %swap3A_288 : vector<1x1x16xf32> to vector<16xf32>
      %swap3A_290 = vector.shape_cast %get3A_283 : vector<16xf32> to vector<1x1x16xf32>
      tpu.vector_store %arg6[%swap3A_285, %swap3A_286, %swap3A_287], %swap3A_290 {add = true, strides = array<i32>} : memref<4x128x128xf32, #tpu.memory_space<vmem>>, vector<1x1x16xf32>,
      %get3A_291 = arith.constant 3 : i32
      %get3A_292 = arith.index_cast %get3A_291 : i32 to index
      %get3A_293 = arith.index_cast %scan3A_149 : i32 to index
      %get3A_294 = arith.constant 48 : index
      %get3A_295 = tpu.vector_load %arg6[%get3A_292, %get3A_293, %get3A_294] {strides = array<i32>} : memref<4x128x128xf32, #tpu.memory_space<vmem>>, vector<1x1x16xf32>,
      %get3A_296 = vector.shape_cast %get3A_295 : vector<1x1x16xf32> to vector<16xf32>
      %swap3A_297 = arith.constant 1 : i32
      %swap3A_298 = arith.index_cast %swap3A_297 : i32 to index
      %swap3A_299 = arith.index_cast %scan3A_149 : i32 to index
      %swap3A_300 = arith.constant 48 : index
      %swap3A_301 = tpu.vector_load %arg6[%swap3A_298, %swap3A_299, %swap3A_300] {strides = array<i32>} : memref<4x128x128xf32, #tpu.memory_space<vmem>>, vector<1x1x16xf32>,
      %swap3A_302 = vector.shape_cast %swap3A_301 : vector<1x1x16xf32> to vector<16xf32>
      %swap3A_303 = vector.shape_cast %get3A_296 : vector<16xf32> to vector<1x1x16xf32>
      tpu.vector_store %arg6[%swap3A_298, %swap3A_299, %swap3A_300], %swap3A_303 {add = true, strides = array<i32>} : memref<4x128x128xf32, #tpu.memory_space<vmem>>, vector<1x1x16xf32>,
      %get3A_304 = arith.constant 3 : i32
      %get3A_305 = arith.index_cast %get3A_304 : i32 to index
      %get3A_306 = arith.index_cast %scan3A_149 : i32 to index
      %get3A_307 = arith.constant 64 : index
      %get3A_308 = tpu.vector_load %arg6[%get3A_305, %get3A_306, %get3A_307] {strides = array<i32>} : memref<4x128x128xf32, #tpu.memory_space<vmem>>, vector<1x1x16xf32>,
      %get3A_309 = vector.shape_cast %get3A_308 : vector<1x1x16xf32> to vector<16xf32>
      %swap3A_310 = arith.constant 1 : i32
      %swap3A_311 = arith.index_cast %swap3A_310 : i32 to index
      %swap3A_312 = arith.index_cast %scan3A_149 : i32 to index
      %swap3A_313 = arith.constant 64 : index
      %swap3A_314 = tpu.vector_load %arg6[%swap3A_311, %swap3A_312, %swap3A_313] {strides = array<i32>} : memref<4x128x128xf32, #tpu.memory_space<vmem>>, vector<1x1x16xf32>,
      %swap3A_315 = vector.shape_cast %swap3A_314 : vector<1x1x16xf32> to vector<16xf32>
      %swap3A_316 = vector.shape_cast %get3A_309 : vector<16xf32> to vector<1x1x16xf32>
      tpu.vector_store %arg6[%swap3A_311, %swap3A_312, %swap3A_313], %swap3A_316 {add = true, strides = array<i32>} : memref<4x128x128xf32, #tpu.memory_space<vmem>>, vector<1x1x16xf32>,
      %get3A_317 = arith.constant 3 : i32
      %get3A_318 = arith.index_cast %get3A_317 : i32 to index
      %get3A_319 = arith.index_cast %scan3A_149 : i32 to index
      %get3A_320 = arith.constant 80 : index
      %get3A_321 = tpu.vector_load %arg6[%get3A_318, %get3A_319, %get3A_320] {strides = array<i32>} : memref<4x128x128xf32, #tpu.memory_space<vmem>>, vector<1x1x16xf32>,
      %get3A_322 = vector.shape_cast %get3A_321 : vector<1x1x16xf32> to vector<16xf32>
      %swap3A_323 = arith.constant 1 : i32
      %swap3A_324 = arith.index_cast %swap3A_323 : i32 to index
      %swap3A_325 = arith.index_cast %scan3A_149 : i32 to index
      %swap3A_326 = arith.constant 80 : index
      %swap3A_327 = tpu.vector_load %arg6[%swap3A_324, %swap3A_325, %swap3A_326] {strides = array<i32>} : memref<4x128x128xf32, #tpu.memory_space<vmem>>, vector<1x1x16xf32>,
      %swap3A_328 = vector.shape_cast %swap3A_327 : vector<1x1x16xf32> to vector<16xf32>
      %swap3A_329 = vector.shape_cast %get3A_322 : vector<16xf32> to vector<1x1x16xf32>
      tpu.vector_store %arg6[%swap3A_324, %swap3A_325, %swap3A_326], %swap3A_329 {add = true, strides = array<i32>} : memref<4x128x128xf32, #tpu.memory_space<vmem>>, vector<1x1x16xf32>,
      %get3A_330 = arith.constant 3 : i32
      %get3A_331 = arith.index_cast %get3A_330 : i32 to index
      %get3A_332 = arith.index_cast %scan3A_149 : i32 to index
      %get3A_333 = arith.constant 96 : index
      %get3A_334 = tpu.vector_load %arg6[%get3A_331, %get3A_332, %get3A_333] {strides = array<i32>} : memref<4x128x128xf32, #tpu.memory_space<vmem>>, vector<1x1x16xf32>,
      %get3A_335 = vector.shape_cast %get3A_334 : vector<1x1x16xf32> to vector<16xf32>
      %swap3A_336 = arith.constant 1 : i32
      %swap3A_337 = arith.index_cast %swap3A_336 : i32 to index
      %swap3A_338 = arith.index_cast %scan3A_149 : i32 to index
      %swap3A_339 = arith.constant 96 : index
      %swap3A_340 = tpu.vector_load %arg6[%swap3A_337, %swap3A_338, %swap3A_339] {strides = array<i32>} : memref<4x128x128xf32, #tpu.memory_space<vmem>>, vector<1x1x16xf32>,
      %swap3A_341 = vector.shape_cast %swap3A_340 : vector<1x1x16xf32> to vector<16xf32>
      %swap3A_342 = vector.shape_cast %get3A_335 : vector<16xf32> to vector<1x1x16xf32>
      tpu.vector_store %arg6[%swap3A_337, %swap3A_338, %swap3A_339], %swap3A_342 {add = true, strides = array<i32>} : memref<4x128x128xf32, #tpu.memory_space<vmem>>, vector<1x1x16xf32>,
      %get3A_343 = arith.constant 3 : i32
      %get3A_344 = arith.index_cast %get3A_343 : i32 to index
      %get3A_345 = arith.index_cast %scan3A_149 : i32 to index
      %get3A_346 = arith.constant 112 : index
      %get3A_347 = tpu.vector_load %arg6[%get3A_344, %get3A_345, %get3A_346] {strides = array<i32>} : memref<4x128x128xf32, #tpu.memory_space<vmem>>, vector<1x1x16xf32>,
      %get3A_348 = vector.shape_cast %get3A_347 : vector<1x1x16xf32> to vector<16xf32>
      %swap3A_349 = arith.constant 1 : i32
      %swap3A_350 = arith.index_cast %swap3A_349 : i32 to index
      %swap3A_351 = arith.index_cast %scan3A_149 : i32 to index
      %swap3A_352 = arith.constant 112 : index
      %swap3A_353 = tpu.vector_load %arg6[%swap3A_350, %swap3A_351, %swap3A_352] {strides = array<i32>} : memref<4x128x128xf32, #tpu.memory_space<vmem>>, vector<1x1x16xf32>,
      %swap3A_354 = vector.shape_cast %swap3A_353 : vector<1x1x16xf32> to vector<16xf32>
      %swap3A_355 = vector.shape_cast %get3A_348 : vector<16xf32> to vector<1x1x16xf32>
      tpu.vector_store %arg6[%swap3A_350, %swap3A_351, %swap3A_352], %swap3A_355 {add = true, strides = array<i32>} : memref<4x128x128xf32, #tpu.memory_space<vmem>>, vector<1x1x16xf32>,
    }
    %scan3A_146 = arith.constant 128 : i32
    %mul3A_147 = arith.constant 2 : i32
    %mul3A_148 = arith.muli %mul3A_147, %add3A : i32
    "tpu.region"() ({
      %run_scoped3A = tpu.sem_alloc : memref<!tpu.dma_semaphore, #tpu.memory_space<semaphore_mem>>
      %dma_start3A_149 = arith.constant 0 : i32
      %dma_start3A_150 = arith.constant 0 : i32
      %dma_start3A_151 = arith.constant 0 : i32
      %dma_start3A_152 = tpu.memref_slice %arg6[%dma_start3A_149, %dma_start3A_150, %dma_start3A_151] : memref<4x128x128xf32, #tpu.memory_space<vmem>> -> memref<2x128x128xf32, #tpu.memory_space<vmem>>
      %dma_start3A_153 = arith.constant 0 : i32
      %dma_start3A_154 = arith.constant 0 : i32
      %dma_start3A_155 = tpu.memref_slice %arg4[%mul3A_148, %dma_start3A_153, %dma_start3A_154] : memref<64x128x128xf32, #tpu.memory_space<hbm>> -> memref<2x128x128xf32, #tpu.memory_space<hbm>>
      %dma_start3A_156 = arith.constant 0 : i32
      %dma_start3A_157 = arith.constant 0 : i32
      %dma_start3A_158 = tpu.memref_slice %arg4[%mul3A_148, %dma_start3A_156, %dma_start3A_157] : memref<64x128x128xf32, #tpu.memory_space<hbm>> -> memref<2x128x128xf32, #tpu.memory_space<hbm>>
      %dma_start3A_159 = arith.constant 0 : i32
      %dma_start3A_160 = arith.constant 0 : i32
      %dma_start3A_161 = arith.constant 0 : i32
      %dma_start3A_162 = tpu.memref_slice %arg6[%dma_start3A_159, %dma_start3A_160, %dma_start3A_161] : memref<4x128x128xf32, #tpu.memory_space<vmem>> -> memref<2x128x128xf32, #tpu.memory_space<vmem>>
      tpu.enqueue_dma source(%dma_start3A_162 : memref<2x128x128xf32, #tpu.memory_space<vmem>>) target(%dma_start3A_158 : memref<2x128x128xf32, #tpu.memory_space<hbm>>) target_semaphore(%run_scoped3A : memref<!tpu.dma_semaphore, #tpu.memory_space<semaphore_mem>>)
      %dma_wait3A_163 = arith.constant 0 : i32
      %dma_wait3A_164 = arith.constant 0 : i32
      %dma_wait3A_165 = arith.constant 0 : i32
      %dma_wait3A_166 = tpu.memref_slice %arg6[%dma_wait3A_163, %dma_wait3A_164, %dma_wait3A_165] : memref<4x128x128xf32, #tpu.memory_space<vmem>> -> memref<2x128x128xf32, #tpu.memory_space<vmem>>
      %dma_wait3A_167 = arith.constant 0 : i32
      %dma_wait3A_168 = arith.constant 0 : i32
      %dma_wait3A_169 = tpu.memref_slice %arg4[%mul3A_148, %dma_wait3A_167, %dma_wait3A_168] : memref<64x128x128xf32, #tpu.memory_space<hbm>> -> memref<2x128x128xf32, #tpu.memory_space<hbm>>
      %dma_wait3A_170 = arith.constant 0 : i32
      %dma_wait3A_171 = arith.constant 0 : i32
      %dma_wait3A_172 = tpu.memref_slice %arg4[%mul3A_148, %dma_wait3A_170, %dma_wait3A_171] : memref<64x128x128xf32, #tpu.memory_space<hbm>> -> memref<2x128x128xf32, #tpu.memory_space<hbm>>
      %dma_wait3A_173 = arith.constant 0 : i32
      %dma_wait3A_174 = arith.constant 0 : i32
      %dma_wait3A_175 = arith.constant 0 : i32
      %dma_wait3A_176 = tpu.memref_slice %arg6[%dma_wait3A_173, %dma_wait3A_174, %dma_wait3A_175] : memref<4x128x128xf32, #tpu.memory_space<vmem>> -> memref<2x128x128xf32, #tpu.memory_space<vmem>>
      tpu.wait_dma2 semaphore(%run_scoped3A : memref<!tpu.dma_semaphore, #tpu.memory_space<semaphore_mem>>) src(%dma_wait3A_176 : memref<2x128x128xf32, #tpu.memory_space<vmem>>) dst(%dma_wait3A_172 : memref<2x128x128xf32, #tpu.memory_space<hbm>>)
      tpu.yield
    }) : () -> ()
    return
  }
}

module attributes {stable_mosaic.version = 14 : i64} {
  func.func @_prep_body(%arg0: i32, %arg1: memref<8000x64xf32, #tpu.memory_space<vmem>>, %arg2: memref<8000x128xf32, #tpu.memory_space<vmem>>) attributes {dimension_semantics = [#tpu.dimension_semantics<arbitrary>], iteration_bounds = array<i64: 125>, scalar_prefetch = 0 : i64, scratch_operands = 0 : i64, tpu.core_type = #tpu.core_type<tc>, window_params = [{transform_indices = @transform_0, window_bounds = array<i64: 8000, 64>}, {transform_indices = @transform_1, window_bounds = array<i64: 8000, 128>}]} {
    %get3A = arith.constant 0 : index
    %get3A_0 = arith.constant 0 : index
    %get3A_1 = vector.load %arg1[%get3A, %get3A_0] : memref<8000x64xf32, #tpu.memory_space<vmem>>, vector<8000x64xf32>
    %concatenate3A = tpu.concatenate %get3A_1, %get3A_1 in 1 : vector<8000x64xf32>, vector<8000x64xf32> -> vector<8000x128xf32>
    %swap3A = arith.constant 0 : index
    %swap3A_2 = arith.constant 0 : index
    %swap3A_3 = vector.load %arg2[%swap3A, %swap3A_2] : memref<8000x128xf32, #tpu.memory_space<vmem>>, vector<8000x128xf32>
    tpu.vector_store %arg2[%swap3A, %swap3A_2], %concatenate3A {strides = array<i32>} : memref<8000x128xf32, #tpu.memory_space<vmem>>, vector<8000x128xf32>,
    return
  }
  func.func @transform_0(%arg0: i32) -> (i32, i32) {
    %c0_i32 = arith.constant 0 : i32
    %c0_i32_0 = arith.constant 0 : i32
    return %arg0, %c0_i32 : i32, i32
  }
  func.func @transform_1(%arg0: i32) -> (i32, i32) {
    %c0_i32 = arith.constant 0 : i32
    %c0_i32_0 = arith.constant 0 : i32
    return %arg0, %c0_i32 : i32, i32
  }
}

module attributes {stable_mosaic.version = 14 : i64} {
  func.func @_mlp_body(%arg0: memref<2x4096x64xf32, #tpu.memory_space<vmem>>, %arg1: memref<128xf32, #tpu.memory_space<vmem>>, %arg2: memref<128xf32, #tpu.memory_space<vmem>>, %arg3: memref<256x128xf32, #tpu.memory_space<vmem>>, %arg4: memref<256xf32, #tpu.memory_space<vmem>>, %arg5: memref<256xf32, #tpu.memory_space<vmem>>, %arg6: memref<256xf32, #tpu.memory_space<vmem>>, %arg7: memref<2x256xf32, #tpu.memory_space<vmem>>, %arg8: memref<2xf32, #tpu.memory_space<vmem>>, %arg9: memref<4096x2xf32, #tpu.memory_space<vmem>>) attributes {dimension_semantics = [], scalar_prefetch = 0 : i64, scratch_operands = 0 : i64, tpu.core_type = #tpu.core_type<tc>} {
    %get3A = arith.constant 0 : index
    %get3A_0 = arith.constant 0 : index
    %get3A_1 = arith.constant 0 : index
    %get3A_2 = vector.load %arg0[%get3A, %get3A_0, %get3A_1] : memref<2x4096x64xf32, #tpu.memory_space<vmem>>, vector<1x4096x64xf32>
    %get3A_3 = vector.shape_cast %get3A_2 : vector<1x4096x64xf32> to vector<4096x64xf32>
    %mul3A = arith.constant 5.000000e-03 : f32
    %mul3A_4 = vector.broadcast %mul3A : f32 to vector<4096x64xf32>
    %mul3A_5 = arith.mulf %get3A_3, %mul3A_4 : vector<4096x64xf32>
    %get3A_6 = arith.constant 1 : index
    %get3A_7 = arith.constant 0 : index
    %get3A_8 = arith.constant 0 : index
    %get3A_9 = vector.load %arg0[%get3A_6, %get3A_7, %get3A_8] : memref<2x4096x64xf32, #tpu.memory_space<vmem>>, vector<1x4096x64xf32>
    %get3A_10 = vector.shape_cast %get3A_9 : vector<1x4096x64xf32> to vector<4096x64xf32>
    %mul3A_11 = arith.constant 5.000000e-03 : f32
    %mul3A_12 = vector.broadcast %mul3A_11 : f32 to vector<4096x64xf32>
    %mul3A_13 = arith.mulf %get3A_10, %mul3A_12 : vector<4096x64xf32>
    %concatenate3A = tpu.concatenate %mul3A_5, %mul3A_13 in 1 : vector<4096x64xf32>, vector<4096x64xf32> -> vector<4096x128xf32>
    %get3A_14 = arith.constant 0 : index
    %get3A_15 = vector.load %arg1[%get3A_14] : memref<128xf32, #tpu.memory_space<vmem>>, vector<128xf32>
    %get3A_16 = arith.constant 0 : index
    %get3A_17 = vector.load %arg2[%get3A_16] : memref<128xf32, #tpu.memory_space<vmem>>, vector<128xf32>
    %reduce_sum3A = arith.constant dense<0.000000e+00> : vector<128xf32>
    %reduce_sum3A_18 = vector.multi_reduction <add>, %concatenate3A, %reduce_sum3A [0] : vector<4096x128xf32> to vector<128xf32>
    %broadcast_in_dim3A = vector.shape_cast %reduce_sum3A_18 : vector<128xf32> to vector<1x128xf32>
    %div3A = arith.constant 4.096000e+03 : f32
    %div3A_19 = vector.broadcast %div3A : f32 to vector<1x128xf32>
    %div3A_20 = arith.divf %broadcast_in_dim3A, %div3A_19 : vector<1x128xf32>
    %sub3A = vector.broadcast %div3A_20 : vector<1x128xf32> to vector<4096x128xf32>
    %sub3A_21 = arith.subf %concatenate3A, %sub3A : vector<4096x128xf32>
    %mul3A_22 = arith.mulf %sub3A_21, %sub3A_21 : vector<4096x128xf32>
    %reduce_sum3A_23 = arith.constant dense<0.000000e+00> : vector<128xf32>
    %reduce_sum3A_24 = vector.multi_reduction <add>, %mul3A_22, %reduce_sum3A_23 [0] : vector<4096x128xf32> to vector<128xf32>
    %broadcast_in_dim3A_25 = vector.shape_cast %reduce_sum3A_24 : vector<128xf32> to vector<1x128xf32>
    %div3A_26 = arith.constant 4.096000e+03 : f32
    %div3A_27 = vector.broadcast %div3A_26 : f32 to vector<1x128xf32>
    %div3A_28 = arith.divf %broadcast_in_dim3A_25, %div3A_27 : vector<1x128xf32>
    %add3A = arith.constant 9.99999974E-6 : f32
    %add3A_29 = vector.broadcast %add3A : f32 to vector<1x128xf32>
    %add3A_30 = arith.addf %div3A_28, %add3A_29 : vector<1x128xf32>
    %sqrt3A = math.sqrt %add3A_30 : vector<1x128xf32>
    %div3A_31 = vector.broadcast %sqrt3A : vector<1x128xf32> to vector<4096x128xf32>
    %div3A_32 = arith.divf %sub3A_21, %div3A_31 : vector<4096x128xf32>
    %broadcast_in_dim3A_33 = vector.shape_cast %get3A_15 : vector<128xf32> to vector<1x128xf32>
    %mul3A_34 = vector.broadcast %broadcast_in_dim3A_33 : vector<1x128xf32> to vector<4096x128xf32>
    %mul3A_35 = arith.mulf %div3A_32, %mul3A_34 : vector<4096x128xf32>
    %broadcast_in_dim3A_36 = vector.shape_cast %get3A_17 : vector<128xf32> to vector<1x128xf32>
    %add3A_37 = vector.broadcast %broadcast_in_dim3A_36 : vector<1x128xf32> to vector<4096x128xf32>
    %add3A_38 = arith.addf %mul3A_35, %add3A_37 : vector<4096x128xf32>
    %get3A_39 = arith.constant 0 : index
    %get3A_40 = arith.constant 0 : index
    %get3A_41 = vector.load %arg3[%get3A_39, %get3A_40] : memref<256x128xf32, #tpu.memory_space<vmem>>, vector<256x128xf32>
    %dot_general3A = arith.constant dense<0.000000e+00> : vector<4096x256xf32>
    %dot_general3A_42 = tpu.matmul %add3A_38, %get3A_41, %dot_general3A {dimension_numbers = #tpu.dot_dimension_numbers<[1], [1], [0], [0], [0, 0, 1, 0], [], []>, transpose_lhs_hint = false} : vector<4096x128xf32>, vector<256x128xf32>, vector<4096x256xf32> -> vector<4096x256xf32>
    %get3A_43 = arith.constant 0 : index
    %get3A_44 = vector.load %arg4[%get3A_43] : memref<256xf32, #tpu.memory_space<vmem>>, vector<256xf32>
    %broadcast_in_dim3A_45 = vector.shape_cast %get3A_44 : vector<256xf32> to vector<1x256xf32>
    %add3A_46 = vector.broadcast %broadcast_in_dim3A_45 : vector<1x256xf32> to vector<4096x256xf32>
    %add3A_47 = arith.addf %dot_general3A_42, %add3A_46 : vector<4096x256xf32>
    %get3A_48 = arith.constant 0 : index
    %get3A_49 = vector.load %arg5[%get3A_48] : memref<256xf32, #tpu.memory_space<vmem>>, vector<256xf32>
    %get3A_50 = arith.constant 0 : index
    %get3A_51 = vector.load %arg6[%get3A_50] : memref<256xf32, #tpu.memory_space<vmem>>, vector<256xf32>
    %reduce_sum3A_52 = arith.constant dense<0.000000e+00> : vector<256xf32>
    %reduce_sum3A_53 = vector.multi_reduction <add>, %add3A_47, %reduce_sum3A_52 [0] : vector<4096x256xf32> to vector<256xf32>
    %broadcast_in_dim3A_54 = vector.shape_cast %reduce_sum3A_53 : vector<256xf32> to vector<1x256xf32>
    %div3A_55 = arith.constant 4.096000e+03 : f32
    %div3A_56 = vector.broadcast %div3A_55 : f32 to vector<1x256xf32>
    %div3A_57 = arith.divf %broadcast_in_dim3A_54, %div3A_56 : vector<1x256xf32>
    %sub3A_58 = vector.broadcast %div3A_57 : vector<1x256xf32> to vector<4096x256xf32>
    %sub3A_59 = arith.subf %add3A_47, %sub3A_58 : vector<4096x256xf32>
    %mul3A_60 = arith.mulf %sub3A_59, %sub3A_59 : vector<4096x256xf32>
    %reduce_sum3A_61 = arith.constant dense<0.000000e+00> : vector<256xf32>
    %reduce_sum3A_62 = vector.multi_reduction <add>, %mul3A_60, %reduce_sum3A_61 [0] : vector<4096x256xf32> to vector<256xf32>
    %broadcast_in_dim3A_63 = vector.shape_cast %reduce_sum3A_62 : vector<256xf32> to vector<1x256xf32>
    %div3A_64 = arith.constant 4.096000e+03 : f32
    %div3A_65 = vector.broadcast %div3A_64 : f32 to vector<1x256xf32>
    %div3A_66 = arith.divf %broadcast_in_dim3A_63, %div3A_65 : vector<1x256xf32>
    %add3A_67 = arith.constant 9.99999974E-6 : f32
    %add3A_68 = vector.broadcast %add3A_67 : f32 to vector<1x256xf32>
    %add3A_69 = arith.addf %div3A_66, %add3A_68 : vector<1x256xf32>
    %sqrt3A_70 = math.sqrt %add3A_69 : vector<1x256xf32>
    %div3A_71 = vector.broadcast %sqrt3A_70 : vector<1x256xf32> to vector<4096x256xf32>
    %div3A_72 = arith.divf %sub3A_59, %div3A_71 : vector<4096x256xf32>
    %broadcast_in_dim3A_73 = vector.shape_cast %get3A_49 : vector<256xf32> to vector<1x256xf32>
    %mul3A_74 = vector.broadcast %broadcast_in_dim3A_73 : vector<1x256xf32> to vector<4096x256xf32>
    %mul3A_75 = arith.mulf %div3A_72, %mul3A_74 : vector<4096x256xf32>
    %broadcast_in_dim3A_76 = vector.shape_cast %get3A_51 : vector<256xf32> to vector<1x256xf32>
    %add3A_77 = vector.broadcast %broadcast_in_dim3A_76 : vector<1x256xf32> to vector<4096x256xf32>
    %add3A_78 = arith.addf %mul3A_75, %add3A_77 : vector<4096x256xf32>
    %get3A_79 = arith.constant 0 : index
    %get3A_80 = arith.constant 0 : index
    %get3A_81 = vector.load %arg7[%get3A_79, %get3A_80] : memref<2x256xf32, #tpu.memory_space<vmem>>, vector<2x256xf32>
    %dot_general3A_82 = arith.constant dense<0.000000e+00> : vector<4096x2xf32>
    %dot_general3A_83 = tpu.matmul %add3A_78, %get3A_81, %dot_general3A_82 {dimension_numbers = #tpu.dot_dimension_numbers<[1], [1], [0], [0], [0, 0, 1, 0], [], []>, transpose_lhs_hint = false} : vector<4096x256xf32>, vector<2x256xf32>, vector<4096x2xf32> -> vector<4096x2xf32>
    %get3A_84 = arith.constant 0 : index
    %get3A_85 = vector.load %arg8[%get3A_84] : memref<2xf32, #tpu.memory_space<vmem>>, vector<2xf32>
    %broadcast_in_dim3A_86 = vector.shape_cast %get3A_85 : vector<2xf32> to vector<1x2xf32>
    %add3A_87 = vector.broadcast %broadcast_in_dim3A_86 : vector<1x2xf32> to vector<4096x2xf32>
    %add3A_88 = arith.addf %dot_general3A_83, %add3A_87 : vector<4096x2xf32>
    %swap3A = arith.constant 0 : index
    %swap3A_89 = arith.constant 0 : index
    %swap3A_90 = vector.load %arg9[%swap3A, %swap3A_89] : memref<4096x2xf32, #tpu.memory_space<vmem>>, vector<4096x2xf32>
    tpu.vector_store %arg9[%swap3A, %swap3A_89], %add3A_88 {strides = array<i32>} : memref<4096x2xf32, #tpu.memory_space<vmem>>, vector<4096x2xf32>,
    return
  }
}

</mosaic_0001>

<sc_bundles>
// kernel: kernel.5.cloned.1.call-start
scs
__scs_entry_jumppad:
0x0: {  	(pc) =	sbr.rel $0x88, $3  }
0x1: {  	(tag) =	ssettag $0x0;
	lr =	simm.s32 $0x1  }
0x2: {  	[smem:$0x3F96] =	sst lr;
	_ =	strace $0xD0000000  }
0x3: {  	_ = 	snop  }
0x4: {  	_ = 	snop  }
0x5: {  	_ = 	snop  }
0x6: {  	_ = 	snop  }
0x7: {  	_ = 	snop  }
__scs_overlays_trampoline_lowered:
0x8: {  	[smem:$0x3FA5] =	sst s0  }
0x9: {  	[smem:$0x3FA6] =	sst s1  }
0xa: {  	[smem:$0x3FA7] =	sst s2  }
0xb: {  	[smem:$0x3FA8] =	sst s3  }
0xc: {  	[smem:$0x3FA9] =	sst s4  }
0xd: {  	[smem:$0x3FAA] =	sst s5  }
0xe: {  	[smem:$0x3FAB] =	sst s6  }
0xf: {  	[smem:$0x3FAC] =	sst s7  }
0x10: {  	[smem:$0x3FAD] =	sst s8  }
0x11: {  	[smem:$0x3FAE] =	sst s9;
	s0 =	simm.s32 @!p0 $0x0  }
0x12: {  	s1 =	sld [smem:$0x3F94];
	s0 =	simm.s32 @p0 $0x1  }
0x13: {  	[smem:$0x3FAF] =	sst s0;
	s0 =	simm.s32 @!p1 $0x0  }
0x14: {  	s2 =	sld [smem:$0x3F93];
	s0 =	simm.s32 @p1 $0x1  }
0x15: {  	[smem:$0x3FB0] =	sst s0;
	s0 =	simm.s32 @!p2 $0x0  }
0x16: {  	s3 =	sld [smem:$0x3FDB];
	s0 =	simm.s32 @p2 $0x1  }
0x17: {  	s4 =	simm.s32 $0x1BF5;
	[smem:$0x3FB2] =	sst s0  }
0x18: {  	s0 =	sld [smem:$0x3F95];
	_ =	swait.ge [sflag:s4], $0x0  }
0x19: {  	s7 =	sld [smem:$0x3F96]  }
0x1a: {  	s8 =	sadd.s32 $0xFFFFE003, lr  }
0x1b: {  	s9 =	sadd.s32 $0xFFFFFEF7, lr;
	s5 =	simm.s32 $0xFFFFFFFF;
	p2 =	slt.u32 s8, $0xFFFFF086  }
0x1c: {  	p1 =	slt.u32 s9, $0xF7A;
	s5 =	simm.s32 @!p2 $0x0  }
0x1d: {  	s5 =	simm.s32 @p1 $0x1;
	p0 =	seq.s32 s7, s2  }
0x1e: {  	s7 =	smul.u32 @!p0 $0xF7A, s2;
	p2 =	seq.s32 @!p0 s5, $0x0  }
0x1f: {  	s9 =	smul.u32 $0xF7A, s1;
	s8 =	simm.s32 @!p0 $0x1BF5;
	p2 =	por !p2, p0  }
0x20: {  	[sflag:s8] =	ssyncset.s32 @!p0 $0xFFFFF086;
	s6 =	sadd.s32 @!p0 s3, s7;
	s7 =	simm.s32 @!p0 $0x108  }
0x21: {  	s3 =	sadd.s32 s3, s9;
	s6 =	sadd.s32 @!p0 $0x88, s6;
	s7 =	simm.s32 @p2 $0x1082  }
0x22: {  	[simem:s7], [sflag:s8] =	dma.local @!p0 [hbm:s6], $0xF7A  }
0x23: {  	s9 =	sor.u32 $0xD0000000, s2;
	s6 =	simm.s32 $0x108;
	_ =	swait.ge @!p0 [sflag:s8], $0x0  }
0x24: {  	s3 =	sadd.s32 $0x88, s3;
	s6 =	simm.s32 @!p1 $0x1082;
	[sflag:s4] =	ssyncset.s32 $0xFFFFF086  }
0x25: {  	[simem:s6], [sflag:s4] =	dma.local [hbm:s3], $0xF7A  }
0x26: {  	[smem:$0x3F96] =	sst s1;
	(tag) =	ssettag s2;
	_ =	strace s9  }
0x27: {  	s1 =	sld [smem:$0x3FA6]  }
0x28: {  	s2 =	sld [smem:$0x3FA7]  }
0x29: {  	s4 =	sld [smem:$0x3FA9]  }
0x2a: {  	p0 =	seq.s32 s5, $0x0;
	s5 =	sld [smem:$0x3FAA]  }
0x2b: {  	s6 =	sld [smem:$0x3FAB]  }
0x2c: {  	s7 =	sld [smem:$0x3FAC]  }
0x2d: {  	s3 =	simm.s32 $0x108;
	s8 =	sld [smem:$0x3FAD]  }
0x2e: {  	s3 =	simm.s32 @!p0 $0x1082;
	s9 =	sld [smem:$0x3FAE]  }
0x2f: {  	lr =	sadd.s32 s0, s3;
	s0 =	sld [smem:$0x3FA5]  }
0x30: {  	s3 =	sld [smem:$0x3FA8]  }
0x31: {  	[smem:$0x3FB1] =	sst s10  }
0x32: {  	s10 =	sld [smem:$0x3FAF];
	_ =	sdelay $0x3  }
0x33: {  	p0 =	seq.s32 s10, $0x1;
	s10 =	sld [smem:$0x3FB1];
	_ =	sdelay $0x3  }
0x34: {  	[smem:$0x3FB1] =	sst s10  }
0x35: {  	s10 =	sld [smem:$0x3FB0];
	_ =	sdelay $0x3  }
0x36: {  	p1 =	seq.s32 s10, $0x1;
	s10 =	sld [smem:$0x3FB1];
	_ =	sdelay $0x3  }
0x37: {  	[smem:$0x3FB1] =	sst s10  }
0x38: {  	s10 =	sld [smem:$0x3FB2]  }
0x39: {  	_ = 	snop;
	(pc) =	sbr.ind lr, $3  }
0x3a: {  	_ = 	snop  }
0x3b: {  	_ = 	snop  }
0x3c: {  	p2 =	seq.s32 s10, $0x1;
	s10 =	sld [smem:$0x3FB1]  }
0x3d: {  	_ =	shalt  }
0x3e: {  	_ =	shalt  }
0x3f: {  	_ =	shalt  }
0x40: {  	_ =	shalt  }
0x41: {  	_ =	shalt  }
0x42: {  	_ =	shalt  }
0x43: {  	_ =	shalt  }
0x44: {  	_ =	shalt  }
0x45: {  	_ =	shalt  }
0x46: {  	_ =	shalt  }
0x47: {  	_ =	shalt  }
0x48: {  	_ =	shalt  }
0x49: {  	_ =	shalt  }
0x4a: {  	_ =	shalt  }
0x4b: {  	_ =	shalt  }
0x4c: {  	_ =	shalt  }
0x4d: {  	_ =	shalt  }
0x4e: {  	_ =	shalt  }
0x4f: {  	_ =	shalt  }
0x50: {  	_ =	shalt  }
0x51: {  	_ =	shalt  }
0x52: {  	_ =	shalt  }
0x53: {  	_ =	shalt  }
0x54: {  	_ =	shalt  }
0x55: {  	_ =	shalt  }
0x56: {  	_ =	shalt  }
0x57: {  	_ =	shalt  }
0x58: {  	_ =	shalt  }
0x59: {  	_ =	shalt  }
0x5a: {  	_ =	shalt  }
0x5b: {  	_ =	shalt  }
0x5c: {  	_ =	shalt  }
0x5d: {  	_ =	shalt  }
0x5e: {  	_ =	shalt  }
0x5f: {  	_ =	shalt  }
0x60: {  	_ =	shalt  }
0x61: {  	_ =	shalt  }
0x62: {  	_ =	shalt  }
0x63: {  	_ =	shalt  }
0x64: {  	_ =	shalt  }
0x65: {  	_ =	shalt  }
0x66: {  	_ =	shalt  }
0x67: {  	_ =	shalt  }
0x68: {  	_ =	shalt  }
0x69: {  	_ =	shalt  }
0x6a: {  	_ =	shalt  }
0x6b: {  	_ =	shalt  }
0x6c: {  	_ =	shalt  }
0x6d: {  	_ =	shalt  }
0x6e: {  	_ =	shalt  }
0x6f: {  	_ =	shalt  }
0x70: {  	_ =	shalt  }
0x71: {  	_ =	shalt  }
0x72: {  	_ =	shalt  }
0x73: {  	_ =	shalt  }
0x74: {  	_ =	shalt  }
0x75: {  	_ =	shalt  }
0x76: {  	_ =	shalt  }
0x77: {  	_ =	shalt  }
0x78: {  	_ =	shalt  }
0x79: {  	_ =	shalt  }
0x7a: {  	_ =	shalt  }
0x7b: {  	_ =	shalt  }
0x7c: {  	_ =	shalt  }
0x7d: {  	_ =	shalt  }
0x7e: {  	_ =	shalt  }
0x7f: {  	_ =	shalt  }
0x80: {  	_ =	shalt  }
0x81: {  	_ =	shalt  }
0x82: {  	_ =	shalt  }
0x83: {  	_ =	shalt  }
0x84: {  	_ =	shalt  }
0x85: {  	_ =	shalt  }
0x86: {  	_ =	shalt  }
0x87: {  	_ =	shalt  }
.Lfunc_end0:
.L_simem_size_0:
called_computation_lowered:
.L_overlay_start_0:
0x88: {  	s2 =	sld [smem:$0x3FD9]  }
0x89: {  	s3 =	sld [smem:$0x3FFE];
	_ =	sdelay $0x1  }
0x8a: {  	s1 =	srdreg.scid  }
0x8b: {  	s0 =	sand.u32 $0x1, s1  }
0x8c: {  	s16 =	sshll.u32 s0, $0xA;
	s2 =	sadd.s32 s3, s2  }
0x8d: {  	s2 =	sadd.s32 s2, s16  }
0x8e: {  	[smem:$0x3FBD] =	sst s2  }
0x8f: {  	_ = 	snop  }
0x90: {  	(tm) =	ssettm $0x1  }
0x91: {  	s17 =	sld [smem:$0x3FFB];
	_ =	sdelay $0x3  }
0x92: {  	_ =	strace s17  }
0x93: {  	s2 =	sld [smem:$0x3FFC];
	_ =	sdelay $0x3  }
0x94: {  	_ =	strace s2  }
0x95: {  	s2 =	sld [smem:$0x3FFD];
	_ =	sdelay $0x3  }
0x96: {  	_ =	strace s2  }
0x97: {  	_ =	strace $0x8FFFFFFF  }
0x98: {  	s18 =	sld [smem:$0x3FDB];
	_ =	sdelay $0x1  }
0x99: {  	s19 =	simm.s32 $_scs_section_size  }
0x9a: {  	s4 =	simm.s32 $_size__tile_overlayer_lowered;
	s5 =	simm.s32 $_tile_overlayer_lowered  }
0x9b: {  	s22 =	simm.s32 $0x1BFF;
	s21 =	sshll.u32 s5, $0x1;
	s2 =	sadd.s32 s19, s18  }
0x9c: {  	s6 =	simm.s32 $0x0;
	s20 =	sshll.u32 s4, $0x1;
	s4 =	sadd.s32 s21, s2  }
0x9d: {  	[timem:s6], [sflag:s22] =	dma.local [hbm:s4], s20  }
0x9e: {  	_ =	swait.ge [sflag:s22], s20  }
0x9f: {  	s3 =	ssub.s32 $0x0, s20;
	[sflag:s22] =	ssyncset.done $0x0  }
0xa0: {  	[sflag:s22] =	ssyncadd.s32 s3;
	_ =	sdelay $0x1  }
0xa1: {  	s23 =	simm.s32 $0x1B8B  }
0xa2: {  	_ =	swait.ge [sflag:s23], $0x1  }
0xa3: {  	[sflag:s23] =	ssyncset.done $0x0  }
0xa4: {  	s25 =	simm.s32 $0x1B8E;
	s24 =	sld [smem:$0x3FFE];
	[sflag:s23] =	ssyncadd.s32 $0xFFFFFFFF  }
0xa5: {  	s26 =	simm.s32 $execute0_lowered;
	[smem:$0x3FD2] =	sst s25  }
0xa6: {  	s4 =	sshll.u32 s26, $0x1;
	_ =	strace $0x80000046;
	[dreg:$0x1] =	wrdreg $0xFFFFFFFF  }
0xa7: {  	s28 =	simm.s32 $_size_execute0_lowered;
	s2 =	sadd.s32 s2, s4;
	[dreg:$0x0] =	wrdreg $0x0  }
0xa8: {  	s4 =	sshll.u32 s28, $0x1;
	[dreg:$0x2] =	wrdreg s2  }
0xa9: {  	[dreg:$0x3] =	wrdreg s4  }
0xaa: {  	[dreg:$0x4] =	wrdreg $0xC0  }
0xab: {  	_ =	task [dreg:s6], $0x5FFFF  }
0xac: {  	[dreg:$0x1] =	wrdreg $0xFFFFFFFF  }
0xad: {  	[dreg:$0x0] =	wrdreg $0x60  }
0xae: {  	[dreg:$0x2] =	wrdreg s24  }
0xaf: {  	[dreg:$0x3] =	wrdreg $0x9  }
0xb0: {  	_ =	task.clear_ibuf [dreg:s6], $0x4FFFF;
	_ =	strace $0x90000046  }
0xb1: {  	s29 =	simm.s32 $0x9;
	_ =	strace $0x80000048  }
0xb2: {  	_ =	swait.ge [sflag:s29], $0x1  }
0xb3: {  	[sflag:s29] =	ssyncadd.s32 $0xFFFFFFFF  }
0xb4: {  	_ =	strace $0x90000048  }
0xb5: {  	_ =	sfence  }
0xb6: {  	s30 =	sld [smem:$0x0];
	_ =	sdelay $0x2  }
0xb7: {  	s31 =	sshll.u32 s1, $0xD;
	s1 =	sshrl.u32 s1, $0x2  }
0xb8: {  	s3 =	sand.u32 $0x4000, s31;
	s1 =	sadd.s32 s1, s30  }
0xb9: {  	s0 =	sor.u32 s3, s0;
	s1 =	sshll.u32 s1, $0x11  }
0xba: {  	s0 =	sor.u32 s1, s0  }
0xbb: {  	s0 =	sadd.s32 $0x8F2B, s0  }
0xbc: {  	[sflag:s0] =	ssyncadd.remote.s32 $0x1  }
0xbd: {  	_ =	sfence.sel $0xFFFF  }
0xbe: {  	[dreg:$0x0] =	wrdreg $0xFFFFFFFF;
	(pc) =	sbr.abs _section_cstart, $3  }
0xbf: {  	[dreg:$0x1] =	wrdreg $0xFFFFFFFF  }
0xc0: {  	_ =	task.clear_ibuf [dreg:s6], $0x2FFFF;
	_ =	strace $0x9FFFFFFF  }
0xc1: {  	(tm) =	ssettm $0x7FFFFFFF  }
tec
execute0_lowered:
.L_overlay_start_1:
0x0: {  	(tag) =	ssettag $0x1  }
0x1: {  	s1 =	srdreg.scid;
	s0 =	stileid.u32  }
0x2: {  	s4 =	rddreg [dreg:$0x0];
	s9 =	simm.s32 $0xC800;
	s10 =	simm.s32 $0x6400  }
0x3: {  	s11 =	simm.s32 $0x10800;
	s12 =	simm.s32 $0x14800;
	s13 =	simm.s32 $0x6480  }
0x4: {  	s14 =	simm.s32 $0x18800;
	s15 =	simm.s32 $0x1;
	s16 =	simm.s32 $0x2  }
0x5: {  	s17 =	simm.s32 $0x3;
	s18 =	simm.s32 $0x4;
	s19 =	simm.s32 $0x0  }
0x6: {  	s3 =	sand.u32 $0x1, s1;
	s31 =	sshll.u32 s0, $0x2;
	s1 =	rddreg [dreg:$0x1]  }
0x7: {  	s2 =	sshll.u32 s3, $0x1;
	s7 =	ssub.s32 $0x2, s3;
	s3 =	sadd.s32 $0xF43E00, s4  }
0x8: {  	s5 =	sor.u32 s2, s31;
	s2 =	simm.s32 $0x0;
	s8 =	sshrl.u32 s7, $0x1  }
0x9: {  	s6 =	smul.u32 $0xC80, s5;
	[smem:$0x7FF] =	sst s2;
	s5 =	sshll.u32 s5, $0xB  }
0xa: {  	s7 =	ssub.s32 s7, s8;
	s8 =	simm.s32 $0x80;
	s5 =	sadd.s32 s5, s4  }
0xb: {  	_ =	strace $0x80000047;
	s6 =	sadd.s32 s6, s4;
	s5 =	sadd.s32 $0x33A00, s5  }
0xc: {  	v0 =	vimm.f32 $0.0e+00;
	s4 =	sadd.s32 $0x1A00, s6;
	s6 =	smax.u32 s7, $0x1;
	s7 =	simm.s32 $0x5  }
.LBB2_1:
0xd: {  	[tilespmem:s2], [sflag:$0x5] =	stream.linear.gather [hbm4b:s4+s2], $0xC800, $0x38;
	[tilespmem:$0x1C800] =	vst v63  }
0xe: {  	_ =	swait.ge [sflag:s7], $0xC800  }
0xf: {  	[sflag:s7] =	ssyncset.done $0x0  }
0x10: {  	s20 =	simm.s32 $0x0;
	s21 =	simm.s32 $0x200;
	[sflag:s7] =	ssyncadd.s32 $0xFFFF3800  }
.LBB2_2:
0x11: {  	p0 =	sne.s32 s21, $0xFE00;
	[tilespmem:s20+$0x18870] =	vst v0  }
0x12: {  	[tilespmem:s20+$0xC800] =	vst v0  }
0x13: {  	[tilespmem:s20+$0xC810] =	vst v0  }
0x14: {  	[tilespmem:s20+$0xC820] =	vst v0  }
0x15: {  	[tilespmem:s20+$0xC830] =	vst v0  }
0x16: {  	[tilespmem:s20+$0xC840] =	vst v0  }
0x17: {  	[tilespmem:s20+$0xC850] =	vst v0  }
0x18: {  	[tilespmem:s20+$0xC860] =	vst v0  }
0x19: {  	[tilespmem:s20+$0xC870] =	vst v0  }
0x1a: {  	[tilespmem:s20+$0x10800] =	vst v0  }
0x1b: {  	[tilespmem:s20+$0x10810] =	vst v0  }
0x1c: {  	[tilespmem:s20+$0x10820] =	vst v0  }
0x1d: {  	[tilespmem:s20+$0x10830] =	vst v0  }
0x1e: {  	[tilespmem:s20+$0x10840] =	vst v0  }
0x1f: {  	[tilespmem:s20+$0x10850] =	vst v0  }
0x20: {  	[tilespmem:s20+$0x10860] =	vst v0  }
0x21: {  	[tilespmem:s20+$0x10870] =	vst v0  }
0x22: {  	[tilespmem:s20+$0x14800] =	vst v0  }
0x23: {  	[tilespmem:s20+$0x14810] =	vst v0  }
0x24: {  	[tilespmem:s20+$0x14820] =	vst v0  }
0x25: {  	[tilespmem:s20+$0x14830] =	vst v0  }
0x26: {  	[tilespmem:s20+$0x14840] =	vst v0  }
0x27: {  	[tilespmem:s20+$0x14850] =	vst v0  }
0x28: {  	[tilespmem:s20+$0x14860] =	vst v0  }
0x29: {  	[tilespmem:s20+$0x14870] =	vst v0  }
0x2a: {  	[tilespmem:s20+$0x18800] =	vst v0  }
0x2b: {  	[tilespmem:s20+$0x18810] =	vst v0  }
.Ltmp0:
0x2c: {  	[tilespmem:s20+$0x18820] =	vst v0;
	(pc) =	sbr.rel @p0 .LBB2_2-.Ltmp0, $4  }
0x2d: {  	[tilespmem:s20+$0x18830] =	vst v0  }
0x2e: {  	[tilespmem:s20+$0x18840] =	vst v0  }
0x2f: {  	[tilespmem:s20+$0x18850] =	vst v0  }
0x30: {  	[tilespmem:s20+$0x18860] =	vst v0;
	s20 =	sshra.s32 s21, $0x2;
	s21 =	sadd.s32 $0x200, s21  }
0x31: {  	[tilespmem:s20+$0x18870] =	vst v0  }
0x32: {  	[tilespmem:s20+$0xC800] =	vst v0  }
0x33: {  	[tilespmem:s20+$0xC810] =	vst v0  }
0x34: {  	[tilespmem:s20+$0xC820] =	vst v0  }
0x35: {  	[tilespmem:s20+$0xC830] =	vst v0  }
0x36: {  	[tilespmem:s20+$0xC840] =	vst v0  }
0x37: {  	[tilespmem:s20+$0xC850] =	vst v0  }
0x38: {  	[tilespmem:s20+$0xC860] =	vst v0  }
0x39: {  	[tilespmem:s20+$0xC870] =	vst v0  }
0x3a: {  	[tilespmem:s20+$0x10800] =	vst v0  }
0x3b: {  	[tilespmem:s20+$0x10810] =	vst v0  }
0x3c: {  	[tilespmem:s20+$0x10820] =	vst v0  }
0x3d: {  	[tilespmem:s20+$0x10830] =	vst v0  }
0x3e: {  	[tilespmem:s20+$0x10840] =	vst v0  }
0x3f: {  	[tilespmem:s20+$0x10850] =	vst v0  }
0x40: {  	[tilespmem:s20+$0x10860] =	vst v0  }
0x41: {  	[tilespmem:s20+$0x10870] =	vst v0  }
0x42: {  	[tilespmem:s20+$0x14800] =	vst v0  }
0x43: {  	[tilespmem:s20+$0x14810] =	vst v0  }
0x44: {  	[tilespmem:s20+$0x14820] =	vst v0  }
0x45: {  	[tilespmem:s20+$0x14830] =	vst v0  }
0x46: {  	[tilespmem:s20+$0x14840] =	vst v0  }
0x47: {  	[tilespmem:s20+$0x14850] =	vst v0  }
0x48: {  	[tilespmem:s20+$0x14860] =	vst v0  }
0x49: {  	[tilespmem:s20+$0x14870] =	vst v0  }
0x4a: {  	[tilespmem:s20+$0x18800] =	vst v0  }
0x4b: {  	[tilespmem:s20+$0x18810] =	vst v0  }
0x4c: {  	[tilespmem:s20+$0x18820] =	vst v0  }
0x4d: {  	[tilespmem:s20+$0x18830] =	vst v0  }
0x4e: {  	[tilespmem:s20+$0x18840] =	vst v0  }
0x4f: {  	[tilespmem:s20+$0x18850] =	vst v0  }
0x50: {  	[tilespmem:s20+$0x18860] =	vst v0  }
0x51: {  	[tilespmem:s9], [sflag:$0x1] =	stream.indirect.gather.add.f32 [hbm:s3], $0x80, s2, s8, $0xb8;
	[tilespmem:$0x1C800] =	vst v63  }
0x52: {  	_ = 	snop  }
0x53: {  	[tilespmem:s11], [sflag:$0x2] =	stream.indirect.gather.add.f32 [hbm:s3], $0x80, s10, s8, $0xb8;
	[tilespmem:$0x1C800] =	vst v63  }
0x54: {  	_ = 	snop  }
0x55: {  	[tilespmem:s12], [sflag:$0x3] =	stream.indirect.gather.add.f32 [hbm:s3], $0x80, s8, s8, $0xb8;
	[tilespmem:$0x1C800] =	vst v63  }
0x56: {  	_ = 	snop  }
0x57: {  	[tilespmem:s14], [sflag:$0x4] =	stream.indirect.gather.add.f32 [hbm:s3], $0x80, s13, s8, $0xb8;
	[tilespmem:$0x1C800] =	vst v63  }
0x58: {  	_ =	swait.ge [sflag:s15], $0x4000  }
0x59: {  	[sflag:s15] =	ssyncset.done $0x0  }
0x5a: {  	s29 =	simm.s32 $0x100;
	[sflag:s15] =	ssyncadd.s32 $0xFFFFC000  }
0x5b: {  	[tilespmem:s9], [sflag:$0x1] =	stream.indirect.gather.add.f32 [hbm:s3], $0x80, s29, s8, $0xb8;
	[tilespmem:$0x1C800] =	vst v63  }
0x5c: {  	_ =	swait.ge [sflag:s16], $0x4000  }
0x5d: {  	[sflag:s16] =	ssyncset.done $0x0  }
0x5e: {  	s30 =	simm.s32 $0x6500;
	[sflag:s16] =	ssyncadd.s32 $0xFFFFC000  }
0x5f: {  	[tilespmem:s11], [sflag:$0x2] =	stream.indirect.gather.add.f32 [hbm:s3], $0x80, s30, s8, $0xb8;
	[tilespmem:$0x1C800] =	vst v63  }
0x60: {  	_ =	swait.ge [sflag:s17], $0x4000  }
0x61: {  	[sflag:s17] =	ssyncset.done $0x0  }
0x62: {  	s31 =	simm.s32 $0x180;
	[sflag:s17] =	ssyncadd.s32 $0xFFFFC000  }
0x63: {  	[tilespmem:s12], [sflag:$0x3] =	stream.indirect.gather.add.f32 [hbm:s3], $0x80, s31, s8, $0xb8;
	[tilespmem:$0x1C800] =	vst v63  }
0x64: {  	_ =	swait.ge [sflag:s18], $0x4000  }
0x65: {  	[sflag:s18] =	ssyncset.done $0x0  }
0x66: {  	s20 =	simm.s32 $0xA00;
	s21 =	simm.s32 $0x6580;
	[sflag:s18] =	ssyncadd.s32 $0xFFFFC000  }
.LBB2_4:
0x67: {  	[tilespmem:s14], [sflag:$0x4] =	stream.indirect.gather.add.f32 [hbm:s3], $0x80, s21, s8, $0xb8;
	[tilespmem:$0x1C800] =	vst v63  }
0x68: {  	s21 =	smov.u32 s20  }
0x69: {  	p0 =	sne.s32 s20, $0x18E00;
	s20 =	sadd.s32 $0x400, s20;
	_ =	swait.ge [sflag:s15], $0x4000  }
0x6a: {  	s21 =	sshra.s32 s21, $0x2;
	[sflag:s15] =	ssyncset.done $0x0  }
0x6b: {  	s22 =	sadd.s32 $0xFFFFFF80, s21;
	[sflag:s15] =	ssyncadd.s32 $0xFFFFC000  }
0x6c: {  	[tilespmem:s9], [sflag:$0x1] =	stream.indirect.gather.add.f32 [hbm:s3], $0x80, s22, s8, $0xb8;
	[tilespmem:$0x1C800] =	vst v63  }
0x6d: {  	_ =	swait.ge [sflag:s16], $0x4000  }
0x6e: {  	[sflag:s16] =	ssyncset.done $0x0  }
0x6f: {  	s22 =	sadd.s32 $0x6380, s21;
	[sflag:s16] =	ssyncadd.s32 $0xFFFFC000  }
0x70: {  	[tilespmem:s11], [sflag:$0x2] =	stream.indirect.gather.add.f32 [hbm:s3], $0x80, s22, s8, $0xb8;
	[tilespmem:$0x1C800] =	vst v63  }
0x71: {  	_ =	swait.ge [sflag:s17], $0x4000  }
0x72: {  	[sflag:s17] =	ssyncset.done $0x0  }
.Ltmp1:
0x73: {  	[sflag:s17] =	ssyncadd.s32 $0xFFFFC000;
	(pc) =	sbr.rel @p0 .LBB2_4-.Ltmp1, $4  }
0x74: {  	[tilespmem:s12], [sflag:$0x3] =	stream.indirect.gather.add.f32 [hbm:s3], $0x80, s21, s8, $0xb8;
	[tilespmem:$0x1C800] =	vst v63  }
0x75: {  	_ =	swait.ge [sflag:s18], $0x4000  }
0x76: {  	[sflag:s18] =	ssyncset.done $0x0  }
0x77: {  	s21 =	sadd.s32 $0x6400, s21;
	[sflag:s18] =	ssyncadd.s32 $0xFFFFC000  }
0x78: {  	[tilespmem:s14], [sflag:$0x4] =	stream.indirect.gather.add.f32 [hbm:s3], $0x80, s21, s8, $0xb8;
	[tilespmem:$0x1C800] =	vst v63  }
0x79: {  	_ =	swait.ge [sflag:s15], $0x4000  }
0x7a: {  	[sflag:s15] =	ssyncset.done $0x0  }
0x7b: {  	[sflag:s15] =	ssyncadd.s32 $0xFFFFC000  }
0x7c: {  	_ =	swait.ge [sflag:s16], $0x4000  }
0x7d: {  	[sflag:s16] =	ssyncset.done $0x0  }
0x7e: {  	[sflag:s16] =	ssyncadd.s32 $0xFFFFC000  }
0x7f: {  	_ =	swait.ge [sflag:s17], $0x4000  }
0x80: {  	[sflag:s17] =	ssyncset.done $0x0  }
0x81: {  	[sflag:s17] =	ssyncadd.s32 $0xFFFFC000  }
0x82: {  	_ =	swait.ge [sflag:s18], $0x4000  }
0x83: {  	[sflag:s18] =	ssyncset.done $0x0  }
0x84: {  	s20 =	simm.s32 $0x0;
	s21 =	simm.s32 $0x200;
	[sflag:s18] =	ssyncadd.s32 $0xFFFFC000  }
.LBB2_6:
0x85: {  	p0 =	sne.s32 s21, $0xFE00;
	v1 =	vld [tilespmem:s20+$0x18870]  }
0x86: {  	v2 =	vld [tilespmem:s20+$0x14800]  }
0x87: {  	v3 =	vld [tilespmem:s20+$0x14810]  }
0x88: {  	v4 =	vld [tilespmem:s20+$0x14820]  }
0x89: {  	v5 =	vld [tilespmem:s20+$0x14830]  }
0x8a: {  	[tilespmem:s20+$0x10870] =	vst.add.f32.msk $0xffff, v1  }
0x8b: {  	v1 =	vld [tilespmem:s20+$0x14840]  }
0x8c: {  	v6 =	vld [tilespmem:s20+$0x14850]  }
0x8d: {  	v7 =	vld [tilespmem:s20+$0x14860]  }
0x8e: {  	v8 =	vld [tilespmem:s20+$0x14870]  }
0x8f: {  	v9 =	vld [tilespmem:s20+$0x18800]  }
0x90: {  	v10 =	vld [tilespmem:s20+$0x18810]  }
0x91: {  	v11 =	vld [tilespmem:s20+$0x18820]  }
0x92: {  	v12 =	vld [tilespmem:s20+$0x18830]  }
0x93: {  	v13 =	vld [tilespmem:s20+$0x18840]  }
0x94: {  	v14 =	vld [tilespmem:s20+$0x18850]  }
0x95: {  	v15 =	vld [tilespmem:s20+$0x18860]  }
0x96: {  	[tilespmem:s20+$0xC800] =	vst.add.f32.msk $0xffff, v2  }
0x97: {  	[tilespmem:s20+$0xC810] =	vst.add.f32.msk $0xffff, v3  }
0x98: {  	[tilespmem:s20+$0xC820] =	vst.add.f32.msk $0xffff, v4  }
0x99: {  	[tilespmem:s20+$0xC830] =	vst.add.f32.msk $0xffff, v5  }
0x9a: {  	[tilespmem:s20+$0xC840] =	vst.add.f32.msk $0xffff, v1  }
0x9b: {  	[tilespmem:s20+$0xC850] =	vst.add.f32.msk $0xffff, v6  }
0x9c: {  	[tilespmem:s20+$0xC860] =	vst.add.f32.msk $0xffff, v7  }
0x9d: {  	[tilespmem:s20+$0xC870] =	vst.add.f32.msk $0xffff, v8  }
0x9e: {  	[tilespmem:s20+$0x10800] =	vst.add.f32.msk $0xffff, v9  }
0x9f: {  	[tilespmem:s20+$0x10810] =	vst.add.f32.msk $0xffff, v10  }
.Ltmp2:
0xa0: {  	[tilespmem:s20+$0x10820] =	vst.add.f32.msk $0xffff, v11;
	(pc) =	sbr.rel @p0 .LBB2_6-.Ltmp2, $4  }
0xa1: {  	[tilespmem:s20+$0x10830] =	vst.add.f32.msk $0xffff, v12  }
0xa2: {  	[tilespmem:s20+$0x10840] =	vst.add.f32.msk $0xffff, v13  }
0xa3: {  	[tilespmem:s20+$0x10850] =	vst.add.f32.msk $0xffff, v14  }
0xa4: {  	[tilespmem:s20+$0x10860] =	vst.add.f32.msk $0xffff, v15;
	s20 =	sshra.s32 s21, $0x2;
	s21 =	sadd.s32 $0x200, s21  }
0xa5: {  	v1 =	vld [tilespmem:s20+$0x18870]  }
0xa6: {  	v2 =	vld [tilespmem:s20+$0x14800]  }
0xa7: {  	v3 =	vld [tilespmem:s20+$0x14810]  }
0xa8: {  	v4 =	vld [tilespmem:s20+$0x14820]  }
0xa9: {  	v5 =	vld [tilespmem:s20+$0x14830]  }
0xaa: {  	v6 =	vld [tilespmem:s20+$0x14850]  }
0xab: {  	v7 =	vld [tilespmem:s20+$0x14860]  }
0xac: {  	v8 =	vld [tilespmem:s20+$0x14870]  }
0xad: {  	v9 =	vld [tilespmem:s20+$0x18800]  }
0xae: {  	v10 =	vld [tilespmem:s20+$0x18810]  }
0xaf: {  	v11 =	vld [tilespmem:s20+$0x18820]  }
0xb0: {  	v12 =	vld [tilespmem:s20+$0x18830]  }
0xb1: {  	v13 =	vld [tilespmem:s20+$0x18840]  }
0xb2: {  	v14 =	vld [tilespmem:s20+$0x18850]  }
0xb3: {  	v15 =	vld [tilespmem:s20+$0x18860]  }
0xb4: {  	[tilespmem:s20+$0x10870] =	vst.add.f32.msk $0xffff, v1  }
0xb5: {  	v1 =	vld [tilespmem:s20+$0x14840]  }
0xb6: {  	[tilespmem:s20+$0xC800] =	vst.add.f32.msk $0xffff, v2  }
0xb7: {  	[tilespmem:s20+$0xC810] =	vst.add.f32.msk $0xffff, v3  }
0xb8: {  	[tilespmem:s20+$0xC820] =	vst.add.f32.msk $0xffff, v4  }
0xb9: {  	[tilespmem:s20+$0xC830] =	vst.add.f32.msk $0xffff, v5  }
0xba: {  	[tilespmem:s20+$0xC850] =	vst.add.f32.msk $0xffff, v6  }
0xbb: {  	[tilespmem:s20+$0xC860] =	vst.add.f32.msk $0xffff, v7  }
0xbc: {  	[tilespmem:s20+$0xC870] =	vst.add.f32.msk $0xffff, v8  }
0xbd: {  	[tilespmem:s20+$0x10800] =	vst.add.f32.msk $0xffff, v9  }
0xbe: {  	[tilespmem:s20+$0x10810] =	vst.add.f32.msk $0xffff, v10  }
0xbf: {  	[tilespmem:s20+$0x10820] =	vst.add.f32.msk $0xffff, v11  }
0xc0: {  	[tilespmem:s20+$0x10830] =	vst.add.f32.msk $0xffff, v12  }
0xc1: {  	[tilespmem:s20+$0x10840] =	vst.add.f32.msk $0xffff, v13  }
0xc2: {  	s19 =	sadd.s32 $0x1, s19;
	[tilespmem:s20+$0x10850] =	vst.add.f32.msk $0xffff, v14  }
0xc3: {  	p0 =	sne.s32 s19, s6;
	[tilespmem:s20+$0x10860] =	vst.add.f32.msk $0xffff, v15  }
.Ltmp3:
0xc4: {  	[tilespmem:s20+$0xC840] =	vst.add.f32.msk $0xffff, v1;
	(pc) =	sbr.rel @p0 .LBB2_1-.Ltmp3, $4  }
0xc5: {  	[hbm4b:s5+s2] =	stream.linear.scatter [tilespmem:s9], [sflag:$0x5], $0x8000, $0x38;
	[tilespmem:$0x1C800] =	vst v63  }
0xc6: {  	_ =	swait.ge [sflag:s7], $0x8000  }
0xc7: {  	[sflag:s7] =	ssyncset.done $0x0  }
0xc8: {  	[sflag:s7] =	ssyncadd.s32 $0xFFFF8000  }
0xc9: {  	_ =	sfence.sel $0x180000  }
0xca: {  	[bflag:$0x0] =	sbarrier.arrive $0xFFFF  }
0xcb: {  	p0 =	sne.s32 s0, $0x0;
	_ =	strace $0x90000047  }
0xcc: {  	s0 =	sadd.s32 @!p0 $0x100000, s1;
	[bflag:$0x2] =	sbarrier.arrive $0xFFFF  }
0xcd: {  	[sflag:s0] =	ssyncadd.tile.s32 @!p0 $0x1;
	_ =	shalt  }
.Lfunc_end2:
_tile_overlayer_lowered:
.L_overlay_start_2:
0xce: {  	(tag) =	ssettag $0x2  }
0xcf: {  	s0 =	rddreg [dreg:$0x0];
	s2 =	stileid.u32  }
0xd0: {  	s1 =	rddreg [dreg:$0x1];
	p0 =	sne.s32 s2, $0x0  }
0xd1: {  	s3 =	rddreg [dreg:$0x2];
	[bflag:$0x3] =	sbarrier.arrive $0xFFFF;
	s2 =	simm.s32 @!p0 $0x1C05  }
0xd2: {  	[timem:s3], [sflag:s2] =	dma.local @!p0 [hbm:s0], s1  }
0xd3: {  	s0 =	simm.s32 @!p0 $0x5  }
0xd4: {  	_ =	swait.ge @!p0 [sflag:s0], s1  }
0xd5: {  	s1 =	ssub.s32 @!p0 $0x0, s1;
	[sflag:s0] =	ssyncset.done @!p0 $0x0  }
0xd6: {  	[sflag:s0] =	ssyncadd.s32 @!p0 s1  }
0xd7: {  	[bflag:$0x3] =	sbarrier.arrive $0xFFFF  }
0xd8: {  	_ =	shalt  }

</sc_bundles>
